<compile_context>
chip_gen: v7x
topology: tpu7x:2x2x1
jax: 0.10.2.dev20260603
libtpu: 0.0.44.dev20260713+nightly
codegen_flags: <defaults>
</compile_context>

<pallas_src>
import functools

import numpy as np
import jax
import jax.numpy as jnp
from jax import lax
from jax.experimental import pallas as pl
from jax.experimental.pallas import tpu as pltpu
from jax.experimental.pallas import tpu_sc as plsc

SLOWFAST_ALPHA = 4

NC = 2
NS = 16


def kernel(frames):
    C, T, H, W = frames.shape
    n = T // SLOWFAST_ALPHA
    idx = [int(v) for v in np.trunc(np.linspace(0.0, T - 1, n)).astype(np.int64)]
    HW = H * W
    R = C * T
    NW = NC * NS
    RPW = R // NW
    x2 = frames.reshape(R, HW)

    mesh = plsc.VectorSubcoreMesh(
        core_axis_name="c", subcore_axis_name="s", num_cores=NC, num_subcores=NS
    )

    @functools.partial(
        pl.kernel,
        out_type=[
            jax.ShapeDtypeStruct((C * n, HW), frames.dtype),
            jax.ShapeDtypeStruct((R, HW), frames.dtype),
        ],
        mesh=mesh,
        scratch_types=[
            pltpu.VMEM((HW,), jnp.float32),
            pltpu.VMEM((HW,), jnp.float32),
            pltpu.SemaphoreType.DMA((2,)),
            pltpu.SemaphoreType.DMA((2,)),
            pltpu.SemaphoreType.DMA,
        ],
    )
    def run(x_hbm, slow_hbm, fast_hbm, buf0, buf1, in_sems, out_sems, slow_sem):
        wid = lax.axis_index("s") * NC + lax.axis_index("c")
        base = wid * RPW
        bufs = (buf0, buf1)

        def row_info(k):
            r = base + k
            c = r // T
            t = r - c * T
            sel = t == idx[0]
            j = jnp.int32(0)
            for v in idx[1:]:
                sel = sel | (t == v)
            for v in idx:
                j = j + (t > v).astype(jnp.int32)
            return r, sel, c * n + j

        def start_in(k):
            r = base + k
            pltpu.make_async_copy(x_hbm.at[r], bufs[k % 2], in_sems.at[k % 2]).start()

        def wait_in(k):
            r = base + k
            pltpu.make_async_copy(x_hbm.at[r], bufs[k % 2], in_sems.at[k % 2]).wait()

        def start_outs(k):
            r, sel, slow_row = row_info(k)
            pltpu.make_async_copy(bufs[k % 2], fast_hbm.at[r], out_sems.at[k % 2]).start()

            @pl.when(sel)
            def _():
                pltpu.make_async_copy(bufs[k % 2], slow_hbm.at[slow_row], slow_sem).start()

        def wait_outs(k):
            r, sel, slow_row = row_info(k)
            pltpu.make_async_copy(bufs[k % 2], fast_hbm.at[r], out_sems.at[k % 2]).wait()

            @pl.when(sel)
            def _():
                pltpu.make_async_copy(bufs[k % 2], slow_hbm.at[slow_row], slow_sem).wait()

        start_in(0)
        if RPW > 1:
            start_in(1)
        wait_in(0)
        start_outs(0)
        for k in range(1, RPW):
            wait_in(k)
            wait_outs(k - 1)
            if k + 1 < RPW:
                start_in(k + 1)
            start_outs(k)
        wait_outs(RPW - 1)

    slow, fast = run(x2)
    return (slow.reshape(C, n, H, W), fast.reshape(C, T, H, W))

# --- scband reference (transcript-rebuilt; emitter-appended) ---
"""Pipeline reference for scband-pack-pathway-29635274342729 (READ-ONLY COPY).

The authoritative reference and input builder live on the scoring server;
editing this copy changes nothing except your own understanding.
"""

import jax, jax.numpy as jnp
import numpy as np

SLOWFAST_ALPHA = 4

def setup_inputs(seed: int = 0) -> dict:
    key = jax.random.key(seed)
    frames = jax.random.normal(key, (3, 32, 224, 224), dtype=jnp.float32)
    return {"frames": frames}

def reference(frames):
    T = frames.shape[1]
    n = T // SLOWFAST_ALPHA
    # torch.linspace(0, T-1, T//alpha).long() -> truncation toward zero
    idx = jnp.linspace(0.0, T - 1, n).astype(jnp.int32)
    slow_pathway = jnp.take(frames, idx, axis=1)
    fast_pathway = frames
    return (slow_pathway, fast_pathway)

if __name__ == "__main__":
    import jax
    _d = setup_inputs()
    print(jax.jit(kernel)(*tuple(_d.values())))

</pallas_src>

<mosaic_0001>
#map = affine_map<(d0, d1) -> (0, 0)>
module attributes {stable_mosaic.version = 14 : i64} {
  func.func @run(%arg0: i32, %arg1: i32, %arg2: memref<96x50176xf32, #tpu.memory_space<hbm>>, %arg3: memref<24x50176xf32, #tpu.memory_space<hbm>>, %arg4: memref<96x50176xf32, #tpu.memory_space<hbm>>, %arg5: memref<50176xf32, #tpu.memory_space<vmem>>, %arg6: memref<50176xf32, #tpu.memory_space<vmem>>, %arg7: memref<2x!tpu.dma_semaphore, #tpu.memory_space<semaphore_mem>>, %arg8: memref<2x!tpu.dma_semaphore, #tpu.memory_space<semaphore_mem>>, %arg9: memref<!tpu.dma_semaphore, #tpu.memory_space<semaphore_mem>>) attributes {dimension_semantics = [#tpu.dimension_semantics<core_parallel>, #tpu.dimension_semantics<subcore_parallel>], iteration_bounds = array<i64: 2, 16>, scalar_prefetch = 0 : i64, scratch_operands = 5 : i64, tpu.core_type = #tpu.core_type<sc_vector_subcore>, window_params = [{transform_indices = #map}, {transform_indices = #map}, {transform_indices = #map}]} {
    %mul3A = arith.constant 2 : i32
    %mul3A_0 = arith.muli %arg1, %mul3A : i32
    %add3A = arith.addi %mul3A_0, %arg0 : i32
    %mul3A_1 = arith.constant 3 : i32
    %mul3A_2 = arith.muli %add3A, %mul3A_1 : i32
    %add3A_3 = arith.constant 0 : i32
    %add3A_4 = arith.addi %mul3A_2, %add3A_3 : i32
    %dma_start3A = arith.constant 0 : i32
    %dma_start3A_5 = arith.constant 0 : i32
    %dma_start3A_6 = tpu.memref_slice %arg2[%add3A_4, %dma_start3A_5] : memref<96x50176xf32, #tpu.memory_space<hbm>> -> memref<1x50176xf32, #tpu.memory_space<hbm>>
    %dma_start3A_7 = tpu.memref_squeeze %dma_start3A_6 : memref<1x50176xf32, #tpu.memory_space<hbm>> -> memref<50176xf32, #tpu.memory_space<hbm>>
    %dma_start3A_8 = tpu.memref_slice %arg7[%dma_start3A] : memref<2x!tpu.dma_semaphore, #tpu.memory_space<semaphore_mem>> -> memref<1x!tpu.dma_semaphore, #tpu.memory_space<semaphore_mem>>
    %dma_start3A_9 = tpu.memref_squeeze %dma_start3A_8 : memref<1x!tpu.dma_semaphore, #tpu.memory_space<semaphore_mem>> -> memref<!tpu.dma_semaphore, #tpu.memory_space<semaphore_mem>>
    %dma_start3A_10 = arith.constant 0 : i32
    %dma_start3A_11 = tpu.memref_slice %arg2[%add3A_4, %dma_start3A_10] : memref<96x50176xf32, #tpu.memory_space<hbm>> -> memref<1x50176xf32, #tpu.memory_space<hbm>>
    %dma_start3A_12 = tpu.memref_squeeze %dma_start3A_11 : memref<1x50176xf32, #tpu.memory_space<hbm>> -> memref<50176xf32, #tpu.memory_space<hbm>>
    tpu.enqueue_dma source(%dma_start3A_12 : memref<50176xf32, #tpu.memory_space<hbm>>) target(%arg5 : memref<50176xf32, #tpu.memory_space<vmem>>) target_semaphore(%dma_start3A_9 : memref<!tpu.dma_semaphore, #tpu.memory_space<semaphore_mem>>)
    %add3A_13 = arith.constant 1 : i32
    %add3A_14 = arith.addi %mul3A_2, %add3A_13 : i32
    %dma_start3A_15 = arith.constant 1 : i32
    %dma_start3A_16 = arith.constant 0 : i32
    %dma_start3A_17 = tpu.memref_slice %arg2[%add3A_14, %dma_start3A_16] : memref<96x50176xf32, #tpu.memory_space<hbm>> -> memref<1x50176xf32, #tpu.memory_space<hbm>>
    %dma_start3A_18 = tpu.memref_squeeze %dma_start3A_17 : memref<1x50176xf32, #tpu.memory_space<hbm>> -> memref<50176xf32, #tpu.memory_space<hbm>>
    %dma_start3A_19 = tpu.memref_slice %arg7[%dma_start3A_15] : memref<2x!tpu.dma_semaphore, #tpu.memory_space<semaphore_mem>> -> memref<1x!tpu.dma_semaphore, #tpu.memory_space<semaphore_mem>>
    %dma_start3A_20 = tpu.memref_squeeze %dma_start3A_19 : memref<1x!tpu.dma_semaphore, #tpu.memory_space<semaphore_mem>> -> memref<!tpu.dma_semaphore, #tpu.memory_space<semaphore_mem>>
    %dma_start3A_21 = arith.constant 0 : i32
    %dma_start3A_22 = tpu.memref_slice %arg2[%add3A_14, %dma_start3A_21] : memref<96x50176xf32, #tpu.memory_space<hbm>> -> memref<1x50176xf32, #tpu.memory_space<hbm>>
    %dma_start3A_23 = tpu.memref_squeeze %dma_start3A_22 : memref<1x50176xf32, #tpu.memory_space<hbm>> -> memref<50176xf32, #tpu.memory_space<hbm>>
    tpu.enqueue_dma source(%dma_start3A_23 : memref<50176xf32, #tpu.memory_space<hbm>>) target(%arg6 : memref<50176xf32, #tpu.memory_space<vmem>>) target_semaphore(%dma_start3A_20 : memref<!tpu.dma_semaphore, #tpu.memory_space<semaphore_mem>>)
    %add3A_24 = arith.constant 0 : i32
    %add3A_25 = arith.addi %mul3A_2, %add3A_24 : i32
    %dma_wait3A = arith.constant 0 : i32
    %dma_wait3A_26 = arith.constant 0 : i32
    %dma_wait3A_27 = tpu.memref_slice %arg2[%add3A_25, %dma_wait3A_26] : memref<96x50176xf32, #tpu.memory_space<hbm>> -> memref<1x50176xf32, #tpu.memory_space<hbm>>
    %dma_wait3A_28 = tpu.memref_squeeze %dma_wait3A_27 : memref<1x50176xf32, #tpu.memory_space<hbm>> -> memref<50176xf32, #tpu.memory_space<hbm>>
    %dma_wait3A_29 = tpu.memref_slice %arg7[%dma_wait3A] : memref<2x!tpu.dma_semaphore, #tpu.memory_space<semaphore_mem>> -> memref<1x!tpu.dma_semaphore, #tpu.memory_space<semaphore_mem>>
    %dma_wait3A_30 = tpu.memref_squeeze %dma_wait3A_29 : memref<1x!tpu.dma_semaphore, #tpu.memory_space<semaphore_mem>> -> memref<!tpu.dma_semaphore, #tpu.memory_space<semaphore_mem>>
    %dma_wait3A_31 = arith.constant 0 : i32
    %dma_wait3A_32 = tpu.memref_slice %arg2[%add3A_25, %dma_wait3A_31] : memref<96x50176xf32, #tpu.memory_space<hbm>> -> memref<1x50176xf32, #tpu.memory_space<hbm>>
    %dma_wait3A_33 = tpu.memref_squeeze %dma_wait3A_32 : memref<1x50176xf32, #tpu.memory_space<hbm>> -> memref<50176xf32, #tpu.memory_space<hbm>>
    tpu.wait_dma2 semaphore(%dma_wait3A_30 : memref<!tpu.dma_semaphore, #tpu.memory_space<semaphore_mem>>) src(%dma_wait3A_33 : memref<50176xf32, #tpu.memory_space<hbm>>) dst(%arg5 : memref<50176xf32, #tpu.memory_space<vmem>>)
    %add3A_34 = arith.constant 0 : i32
    %add3A_35 = arith.addi %mul3A_2, %add3A_34 : i32
    %jit3A = arith.constant 32 : i32
    %div3A = arith.divsi %add3A_35, %jit3A : i32
    %sign3A = arith.constant 0 : i32
    %sign3A_36 = arith.cmpi sgt, %add3A_35, %sign3A : i32
    %sign3A_37 = arith.extui %sign3A_36 : i1 to i32
    %sign3A_38 = arith.constant 0 : i32
    %sign3A_39 = arith.cmpi slt, %add3A_35, %sign3A_38 : i32
    %sign3A_40 = arith.extui %sign3A_39 : i1 to i32
    %sign3A_41 = arith.subi %sign3A_37, %sign3A_40 : i32
    %sign3A_42 = arith.constant 0 : i32
    %sign3A_43 = arith.cmpi sgt, %jit3A, %sign3A_42 : i32
    %sign3A_44 = arith.extui %sign3A_43 : i1 to i32
    %sign3A_45 = arith.constant 0 : i32
    %sign3A_46 = arith.cmpi slt, %jit3A, %sign3A_45 : i32
    %sign3A_47 = arith.extui %sign3A_46 : i1 to i32
    %sign3A_48 = arith.subi %sign3A_44, %sign3A_47 : i32
    %ne3A = arith.cmpi ne, %sign3A_41, %sign3A_48 : i32
    %rem3A = arith.remsi %add3A_35, %jit3A : i32
    %ne3A_49 = arith.constant 0 : i32
    %ne3A_50 = arith.cmpi ne, %rem3A, %ne3A_49 : i32
    %and3A = arith.andi %ne3A, %ne3A_50 : i1
    %sub3A = arith.constant 1 : i32
    %sub3A_51 = arith.subi %div3A, %sub3A : i32
    %select_n3A = arith.select %and3A, %sub3A_51, %div3A : i32
    %mul3A_52 = arith.constant 32 : i32
    %mul3A_53 = arith.muli %select_n3A, %mul3A_52 : i32
    %sub3A_54 = arith.subi %add3A_35, %mul3A_53 : i32
    %eq3A = arith.constant 0 : i32
    %eq3A_55 = arith.cmpi eq, %sub3A_54, %eq3A : i32
    %eq3A_56 = arith.constant 4 : i32
    %eq3A_57 = arith.cmpi eq, %sub3A_54, %eq3A_56 : i32
    %or3A = arith.ori %eq3A_55, %eq3A_57 : i1
    %eq3A_58 = arith.constant 8 : i32
    %eq3A_59 = arith.cmpi eq, %sub3A_54, %eq3A_58 : i32
    %or3A_60 = arith.ori %or3A, %eq3A_59 : i1
    %eq3A_61 = arith.constant 13 : i32
    %eq3A_62 = arith.cmpi eq, %sub3A_54, %eq3A_61 : i32
    %or3A_63 = arith.ori %or3A_60, %eq3A_62 : i1
    %eq3A_64 = arith.constant 17 : i32
    %eq3A_65 = arith.cmpi eq, %sub3A_54, %eq3A_64 : i32
    %or3A_66 = arith.ori %or3A_63, %eq3A_65 : i1
    %eq3A_67 = arith.constant 22 : i32
    %eq3A_68 = arith.cmpi eq, %sub3A_54, %eq3A_67 : i32
    %or3A_69 = arith.ori %or3A_66, %eq3A_68 : i1
    %eq3A_70 = arith.constant 26 : i32
    %eq3A_71 = arith.cmpi eq, %sub3A_54, %eq3A_70 : i32
    %or3A_72 = arith.ori %or3A_69, %eq3A_71 : i1
    %eq3A_73 = arith.constant 31 : i32
    %eq3A_74 = arith.cmpi eq, %sub3A_54, %eq3A_73 : i32
    %or3A_75 = arith.ori %or3A_72, %eq3A_74 : i1
    %gt3A = arith.constant 0 : i32
    %gt3A_76 = arith.cmpi sgt, %sub3A_54, %gt3A : i32
    %convert_element_type3A = arith.extui %gt3A_76 : i1 to i32
    %add3A_77 = arith.constant 0 : i32
    %add3A_78 = arith.addi %add3A_77, %convert_element_type3A : i32
    %gt3A_79 = arith.constant 4 : i32
    %gt3A_80 = arith.cmpi sgt, %sub3A_54, %gt3A_79 : i32
    %convert_element_type3A_81 = arith.extui %gt3A_80 : i1 to i32
    %add3A_82 = arith.addi %add3A_78, %convert_element_type3A_81 : i32
    %gt3A_83 = arith.constant 8 : i32
    %gt3A_84 = arith.cmpi sgt, %sub3A_54, %gt3A_83 : i32
    %convert_element_type3A_85 = arith.extui %gt3A_84 : i1 to i32
    %add3A_86 = arith.addi %add3A_82, %convert_element_type3A_85 : i32
    %gt3A_87 = arith.constant 13 : i32
    %gt3A_88 = arith.cmpi sgt, %sub3A_54, %gt3A_87 : i32
    %convert_element_type3A_89 = arith.extui %gt3A_88 : i1 to i32
    %add3A_90 = arith.addi %add3A_86, %convert_element_type3A_89 : i32
    %gt3A_91 = arith.constant 17 : i32
    %gt3A_92 = arith.cmpi sgt, %sub3A_54, %gt3A_91 : i32
    %convert_element_type3A_93 = arith.extui %gt3A_92 : i1 to i32
    %add3A_94 = arith.addi %add3A_90, %convert_element_type3A_93 : i32
    %gt3A_95 = arith.constant 22 : i32
    %gt3A_96 = arith.cmpi sgt, %sub3A_54, %gt3A_95 : i32
    %convert_element_type3A_97 = arith.extui %gt3A_96 : i1 to i32
    %add3A_98 = arith.addi %add3A_94, %convert_element_type3A_97 : i32
    %gt3A_99 = arith.constant 26 : i32
    %gt3A_100 = arith.cmpi sgt, %sub3A_54, %gt3A_99 : i32
    %convert_element_type3A_101 = arith.extui %gt3A_100 : i1 to i32
    %add3A_102 = arith.addi %add3A_98, %convert_element_type3A_101 : i32
    %gt3A_103 = arith.constant 31 : i32
    %gt3A_104 = arith.cmpi sgt, %sub3A_54, %gt3A_103 : i32
    %convert_element_type3A_105 = arith.extui %gt3A_104 : i1 to i32
    %add3A_106 = arith.addi %add3A_102, %convert_element_type3A_105 : i32
    %mul3A_107 = arith.constant 8 : i32
    %mul3A_108 = arith.muli %select_n3A, %mul3A_107 : i32
    %add3A_109 = arith.addi %mul3A_108, %add3A_106 : i32
    %dma_start3A_110 = arith.constant 0 : i32
    %dma_start3A_111 = arith.constant 0 : i32
    %dma_start3A_112 = tpu.memref_slice %arg4[%add3A_35, %dma_start3A_111] : memref<96x50176xf32, #tpu.memory_space<hbm>> -> memref<1x50176xf32, #tpu.memory_space<hbm>>
    %dma_start3A_113 = tpu.memref_squeeze %dma_start3A_112 : memref<1x50176xf32, #tpu.memory_space<hbm>> -> memref<50176xf32, #tpu.memory_space<hbm>>
    %dma_start3A_114 = tpu.memref_slice %arg8[%dma_start3A_110] : memref<2x!tpu.dma_semaphore, #tpu.memory_space<semaphore_mem>> -> memref<1x!tpu.dma_semaphore, #tpu.memory_space<semaphore_mem>>
    %dma_start3A_115 = tpu.memref_squeeze %dma_start3A_114 : memref<1x!tpu.dma_semaphore, #tpu.memory_space<semaphore_mem>> -> memref<!tpu.dma_semaphore, #tpu.memory_space<semaphore_mem>>
    %dma_start3A_116 = arith.constant 0 : i32
    %dma_start3A_117 = tpu.memref_slice %arg4[%add3A_35, %dma_start3A_116] : memref<96x50176xf32, #tpu.memory_space<hbm>> -> memref<1x50176xf32, #tpu.memory_space<hbm>>
    %dma_start3A_118 = tpu.memref_squeeze %dma_start3A_117 : memref<1x50176xf32, #tpu.memory_space<hbm>> -> memref<50176xf32, #tpu.memory_space<hbm>>
    tpu.enqueue_dma source(%arg5 : memref<50176xf32, #tpu.memory_space<vmem>>) target(%dma_start3A_118 : memref<50176xf32, #tpu.memory_space<hbm>>) target_semaphore(%dma_start3A_115 : memref<!tpu.dma_semaphore, #tpu.memory_space<semaphore_mem>>)
    %convert_element_type3A_119 = arith.extui %or3A_75 : i1 to i32
    %cond3A = arith.constant 0 : i32
    %cond3A_120 = arith.cmpi ne, %convert_element_type3A_119, %cond3A : i32
    scf.if %cond3A_120 {
      %dma_start3A_654 = arith.constant 0 : i32
      %dma_start3A_655 = tpu.memref_slice %arg3[%add3A_109, %dma_start3A_654] : memref<24x50176xf32, #tpu.memory_space<hbm>> -> memref<1x50176xf32, #tpu.memory_space<hbm>>
      %dma_start3A_656 = tpu.memref_squeeze %dma_start3A_655 : memref<1x50176xf32, #tpu.memory_space<hbm>> -> memref<50176xf32, #tpu.memory_space<hbm>>
      %dma_start3A_657 = arith.constant 0 : i32
      %dma_start3A_658 = tpu.memref_slice %arg3[%add3A_109, %dma_start3A_657] : memref<24x50176xf32, #tpu.memory_space<hbm>> -> memref<1x50176xf32, #tpu.memory_space<hbm>>
      %dma_start3A_659 = tpu.memref_squeeze %dma_start3A_658 : memref<1x50176xf32, #tpu.memory_space<hbm>> -> memref<50176xf32, #tpu.memory_space<hbm>>
      tpu.enqueue_dma source(%arg5 : memref<50176xf32, #tpu.memory_space<vmem>>) target(%dma_start3A_659 : memref<50176xf32, #tpu.memory_space<hbm>>) target_semaphore(%arg9 : memref<!tpu.dma_semaphore, #tpu.memory_space<semaphore_mem>>)
    } else {
    }
    %add3A_121 = arith.constant 1 : i32
    %add3A_122 = arith.addi %mul3A_2, %add3A_121 : i32
    %dma_wait3A_123 = arith.constant 1 : i32
    %dma_wait3A_124 = arith.constant 0 : i32
    %dma_wait3A_125 = tpu.memref_slice %arg2[%add3A_122, %dma_wait3A_124] : memref<96x50176xf32, #tpu.memory_space<hbm>> -> memref<1x50176xf32, #tpu.memory_space<hbm>>
    %dma_wait3A_126 = tpu.memref_squeeze %dma_wait3A_125 : memref<1x50176xf32, #tpu.memory_space<hbm>> -> memref<50176xf32, #tpu.memory_space<hbm>>
    %dma_wait3A_127 = tpu.memref_slice %arg7[%dma_wait3A_123] : memref<2x!tpu.dma_semaphore, #tpu.memory_space<semaphore_mem>> -> memref<1x!tpu.dma_semaphore, #tpu.memory_space<semaphore_mem>>
    %dma_wait3A_128 = tpu.memref_squeeze %dma_wait3A_127 : memref<1x!tpu.dma_semaphore, #tpu.memory_space<semaphore_mem>> -> memref<!tpu.dma_semaphore, #tpu.memory_space<semaphore_mem>>
    %dma_wait3A_129 = arith.constant 0 : i32
    %dma_wait3A_130 = tpu.memref_slice %arg2[%add3A_122, %dma_wait3A_129] : memref<96x50176xf32, #tpu.memory_space<hbm>> -> memref<1x50176xf32, #tpu.memory_space<hbm>>
    %dma_wait3A_131 = tpu.memref_squeeze %dma_wait3A_130 : memref<1x50176xf32, #tpu.memory_space<hbm>> -> memref<50176xf32, #tpu.memory_space<hbm>>
    tpu.wait_dma2 semaphore(%dma_wait3A_128 : memref<!tpu.dma_semaphore, #tpu.memory_space<semaphore_mem>>) src(%dma_wait3A_131 : memref<50176xf32, #tpu.memory_space<hbm>>) dst(%arg6 : memref<50176xf32, #tpu.memory_space<vmem>>)
    %add3A_132 = arith.constant 0 : i32
    %add3A_133 = arith.addi %mul3A_2, %add3A_132 : i32
    %jit3A_134 = arith.constant 32 : i32
    %div3A_135 = arith.divsi %add3A_133, %jit3A_134 : i32
    %sign3A_136 = arith.constant 0 : i32
    %sign3A_137 = arith.cmpi sgt, %add3A_133, %sign3A_136 : i32
    %sign3A_138 = arith.extui %sign3A_137 : i1 to i32
    %sign3A_139 = arith.constant 0 : i32
    %sign3A_140 = arith.cmpi slt, %add3A_133, %sign3A_139 : i32
    %sign3A_141 = arith.extui %sign3A_140 : i1 to i32
    %sign3A_142 = arith.subi %sign3A_138, %sign3A_141 : i32
    %sign3A_143 = arith.constant 0 : i32
    %sign3A_144 = arith.cmpi sgt, %jit3A_134, %sign3A_143 : i32
    %sign3A_145 = arith.extui %sign3A_144 : i1 to i32
    %sign3A_146 = arith.constant 0 : i32
    %sign3A_147 = arith.cmpi slt, %jit3A_134, %sign3A_146 : i32
    %sign3A_148 = arith.extui %sign3A_147 : i1 to i32
    %sign3A_149 = arith.subi %sign3A_145, %sign3A_148 : i32
    %ne3A_150 = arith.cmpi ne, %sign3A_142, %sign3A_149 : i32
    %rem3A_151 = arith.remsi %add3A_133, %jit3A_134 : i32
    %ne3A_152 = arith.constant 0 : i32
    %ne3A_153 = arith.cmpi ne, %rem3A_151, %ne3A_152 : i32
    %and3A_154 = arith.andi %ne3A_150, %ne3A_153 : i1
    %sub3A_155 = arith.constant 1 : i32
    %sub3A_156 = arith.subi %div3A_135, %sub3A_155 : i32
    %select_n3A_157 = arith.select %and3A_154, %sub3A_156, %div3A_135 : i32
    %mul3A_158 = arith.constant 32 : i32
    %mul3A_159 = arith.muli %select_n3A_157, %mul3A_158 : i32
    %sub3A_160 = arith.subi %add3A_133, %mul3A_159 : i32
    %eq3A_161 = arith.constant 0 : i32
    %eq3A_162 = arith.cmpi eq, %sub3A_160, %eq3A_161 : i32
    %eq3A_163 = arith.constant 4 : i32
    %eq3A_164 = arith.cmpi eq, %sub3A_160, %eq3A_163 : i32
    %or3A_165 = arith.ori %eq3A_162, %eq3A_164 : i1
    %eq3A_166 = arith.constant 8 : i32
    %eq3A_167 = arith.cmpi eq, %sub3A_160, %eq3A_166 : i32
    %or3A_168 = arith.ori %or3A_165, %eq3A_167 : i1
    %eq3A_169 = arith.constant 13 : i32
    %eq3A_170 = arith.cmpi eq, %sub3A_160, %eq3A_169 : i32
    %or3A_171 = arith.ori %or3A_168, %eq3A_170 : i1
    %eq3A_172 = arith.constant 17 : i32
    %eq3A_173 = arith.cmpi eq, %sub3A_160, %eq3A_172 : i32
    %or3A_174 = arith.ori %or3A_171, %eq3A_173 : i1
    %eq3A_175 = arith.constant 22 : i32
    %eq3A_176 = arith.cmpi eq, %sub3A_160, %eq3A_175 : i32
    %or3A_177 = arith.ori %or3A_174, %eq3A_176 : i1
    %eq3A_178 = arith.constant 26 : i32
    %eq3A_179 = arith.cmpi eq, %sub3A_160, %eq3A_178 : i32
    %or3A_180 = arith.ori %or3A_177, %eq3A_179 : i1
    %eq3A_181 = arith.constant 31 : i32
    %eq3A_182 = arith.cmpi eq, %sub3A_160, %eq3A_181 : i32
    %or3A_183 = arith.ori %or3A_180, %eq3A_182 : i1
    %gt3A_184 = arith.constant 0 : i32
    %gt3A_185 = arith.cmpi sgt, %sub3A_160, %gt3A_184 : i32
    %convert_element_type3A_186 = arith.extui %gt3A_185 : i1 to i32
    %add3A_187 = arith.constant 0 : i32
    %add3A_188 = arith.addi %add3A_187, %convert_element_type3A_186 : i32
    %gt3A_189 = arith.constant 4 : i32
    %gt3A_190 = arith.cmpi sgt, %sub3A_160, %gt3A_189 : i32
    %convert_element_type3A_191 = arith.extui %gt3A_190 : i1 to i32
    %add3A_192 = arith.addi %add3A_188, %convert_element_type3A_191 : i32
    %gt3A_193 = arith.constant 8 : i32
    %gt3A_194 = arith.cmpi sgt, %sub3A_160, %gt3A_193 : i32
    %convert_element_type3A_195 = arith.extui %gt3A_194 : i1 to i32
    %add3A_196 = arith.addi %add3A_192, %convert_element_type3A_195 : i32
    %gt3A_197 = arith.constant 13 : i32
    %gt3A_198 = arith.cmpi sgt, %sub3A_160, %gt3A_197 : i32
    %convert_element_type3A_199 = arith.extui %gt3A_198 : i1 to i32
    %add3A_200 = arith.addi %add3A_196, %convert_element_type3A_199 : i32
    %gt3A_201 = arith.constant 17 : i32
    %gt3A_202 = arith.cmpi sgt, %sub3A_160, %gt3A_201 : i32
    %convert_element_type3A_203 = arith.extui %gt3A_202 : i1 to i32
    %add3A_204 = arith.addi %add3A_200, %convert_element_type3A_203 : i32
    %gt3A_205 = arith.constant 22 : i32
    %gt3A_206 = arith.cmpi sgt, %sub3A_160, %gt3A_205 : i32
    %convert_element_type3A_207 = arith.extui %gt3A_206 : i1 to i32
    %add3A_208 = arith.addi %add3A_204, %convert_element_type3A_207 : i32
    %gt3A_209 = arith.constant 26 : i32
    %gt3A_210 = arith.cmpi sgt, %sub3A_160, %gt3A_209 : i32
    %convert_element_type3A_211 = arith.extui %gt3A_210 : i1 to i32
    %add3A_212 = arith.addi %add3A_208, %convert_element_type3A_211 : i32
    %gt3A_213 = arith.constant 31 : i32
    %gt3A_214 = arith.cmpi sgt, %sub3A_160, %gt3A_213 : i32
    %convert_element_type3A_215 = arith.extui %gt3A_214 : i1 to i32
    %add3A_216 = arith.addi %add3A_212, %convert_element_type3A_215 : i32
    %mul3A_217 = arith.constant 8 : i32
    %mul3A_218 = arith.muli %select_n3A_157, %mul3A_217 : i32
    %add3A_219 = arith.addi %mul3A_218, %add3A_216 : i32
    %dma_wait3A_220 = arith.constant 0 : i32
    %dma_wait3A_221 = arith.constant 0 : i32
    %dma_wait3A_222 = tpu.memref_slice %arg4[%add3A_133, %dma_wait3A_221] : memref<96x50176xf32, #tpu.memory_space<hbm>> -> memref<1x50176xf32, #tpu.memory_space<hbm>>
    %dma_wait3A_223 = tpu.memref_squeeze %dma_wait3A_222 : memref<1x50176xf32, #tpu.memory_space<hbm>> -> memref<50176xf32, #tpu.memory_space<hbm>>
    %dma_wait3A_224 = tpu.memref_slice %arg8[%dma_wait3A_220] : memref<2x!tpu.dma_semaphore, #tpu.memory_space<semaphore_mem>> -> memref<1x!tpu.dma_semaphore, #tpu.memory_space<semaphore_mem>>
    %dma_wait3A_225 = tpu.memref_squeeze %dma_wait3A_224 : memref<1x!tpu.dma_semaphore, #tpu.memory_space<semaphore_mem>> -> memref<!tpu.dma_semaphore, #tpu.memory_space<semaphore_mem>>
    %dma_wait3A_226 = arith.constant 0 : i32
    %dma_wait3A_227 = tpu.memref_slice %arg4[%add3A_133, %dma_wait3A_226] : memref<96x50176xf32, #tpu.memory_space<hbm>> -> memref<1x50176xf32, #tpu.memory_space<hbm>>
    %dma_wait3A_228 = tpu.memref_squeeze %dma_wait3A_227 : memref<1x50176xf32, #tpu.memory_space<hbm>> -> memref<50176xf32, #tpu.memory_space<hbm>>
    tpu.wait_dma2 semaphore(%dma_wait3A_225 : memref<!tpu.dma_semaphore, #tpu.memory_space<semaphore_mem>>) src(%arg5 : memref<50176xf32, #tpu.memory_space<vmem>>) dst(%dma_wait3A_228 : memref<50176xf32, #tpu.memory_space<hbm>>)
    %convert_element_type3A_229 = arith.extui %or3A_183 : i1 to i32
    %cond3A_230 = arith.constant 0 : i32
    %cond3A_231 = arith.cmpi ne, %convert_element_type3A_229, %cond3A_230 : i32
    scf.if %cond3A_231 {
      %dma_wait3A_654 = arith.constant 0 : i32
      %dma_wait3A_655 = tpu.memref_slice %arg3[%add3A_219, %dma_wait3A_654] : memref<24x50176xf32, #tpu.memory_space<hbm>> -> memref<1x50176xf32, #tpu.memory_space<hbm>>
      %dma_wait3A_656 = tpu.memref_squeeze %dma_wait3A_655 : memref<1x50176xf32, #tpu.memory_space<hbm>> -> memref<50176xf32, #tpu.memory_space<hbm>>
      %dma_wait3A_657 = arith.constant 0 : i32
      %dma_wait3A_658 = tpu.memref_slice %arg3[%add3A_219, %dma_wait3A_657] : memref<24x50176xf32, #tpu.memory_space<hbm>> -> memref<1x50176xf32, #tpu.memory_space<hbm>>
      %dma_wait3A_659 = tpu.memref_squeeze %dma_wait3A_658 : memref<1x50176xf32, #tpu.memory_space<hbm>> -> memref<50176xf32, #tpu.memory_space<hbm>>
      tpu.wait_dma2 semaphore(%arg9 : memref<!tpu.dma_semaphore, #tpu.memory_space<semaphore_mem>>) src(%arg5 : memref<50176xf32, #tpu.memory_space<vmem>>) dst(%dma_wait3A_659 : memref<50176xf32, #tpu.memory_space<hbm>>)
    } else {
    }
    %add3A_232 = arith.constant 2 : i32
    %add3A_233 = arith.addi %mul3A_2, %add3A_232 : i32
    %dma_start3A_234 = arith.constant 0 : i32
    %dma_start3A_235 = arith.constant 0 : i32
    %dma_start3A_236 = tpu.memref_slice %arg2[%add3A_233, %dma_start3A_235] : memref<96x50176xf32, #tpu.memory_space<hbm>> -> memref<1x50176xf32, #tpu.memory_space<hbm>>
    %dma_start3A_237 = tpu.memref_squeeze %dma_start3A_236 : memref<1x50176xf32, #tpu.memory_space<hbm>> -> memref<50176xf32, #tpu.memory_space<hbm>>
    %dma_start3A_238 = tpu.memref_slice %arg7[%dma_start3A_234] : memref<2x!tpu.dma_semaphore, #tpu.memory_space<semaphore_mem>> -> memref<1x!tpu.dma_semaphore, #tpu.memory_space<semaphore_mem>>
    %dma_start3A_239 = tpu.memref_squeeze %dma_start3A_238 : memref<1x!tpu.dma_semaphore, #tpu.memory_space<semaphore_mem>> -> memref<!tpu.dma_semaphore, #tpu.memory_space<semaphore_mem>>
    %dma_start3A_240 = arith.constant 0 : i32
    %dma_start3A_241 = tpu.memref_slice %arg2[%add3A_233, %dma_start3A_240] : memref<96x50176xf32, #tpu.memory_space<hbm>> -> memref<1x50176xf32, #tpu.memory_space<hbm>>
    %dma_start3A_242 = tpu.memref_squeeze %dma_start3A_241 : memref<1x50176xf32, #tpu.memory_space<hbm>> -> memref<50176xf32, #tpu.memory_space<hbm>>
    tpu.enqueue_dma source(%dma_start3A_242 : memref<50176xf32, #tpu.memory_space<hbm>>) target(%arg5 : memref<50176xf32, #tpu.memory_space<vmem>>) target_semaphore(%dma_start3A_239 : memref<!tpu.dma_semaphore, #tpu.memory_space<semaphore_mem>>)
    %add3A_243 = arith.constant 1 : i32
    %add3A_244 = arith.addi %mul3A_2, %add3A_243 : i32
    %jit3A_245 = arith.constant 32 : i32
    %div3A_246 = arith.divsi %add3A_244, %jit3A_245 : i32
    %sign3A_247 = arith.constant 0 : i32
    %sign3A_248 = arith.cmpi sgt, %add3A_244, %sign3A_247 : i32
    %sign3A_249 = arith.extui %sign3A_248 : i1 to i32
    %sign3A_250 = arith.constant 0 : i32
    %sign3A_251 = arith.cmpi slt, %add3A_244, %sign3A_250 : i32
    %sign3A_252 = arith.extui %sign3A_251 : i1 to i32
    %sign3A_253 = arith.subi %sign3A_249, %sign3A_252 : i32
    %sign3A_254 = arith.constant 0 : i32
    %sign3A_255 = arith.cmpi sgt, %jit3A_245, %sign3A_254 : i32
    %sign3A_256 = arith.extui %sign3A_255 : i1 to i32
    %sign3A_257 = arith.constant 0 : i32
    %sign3A_258 = arith.cmpi slt, %jit3A_245, %sign3A_257 : i32
    %sign3A_259 = arith.extui %sign3A_258 : i1 to i32
    %sign3A_260 = arith.subi %sign3A_256, %sign3A_259 : i32
    %ne3A_261 = arith.cmpi ne, %sign3A_253, %sign3A_260 : i32
    %rem3A_262 = arith.remsi %add3A_244, %jit3A_245 : i32
    %ne3A_263 = arith.constant 0 : i32
    %ne3A_264 = arith.cmpi ne, %rem3A_262, %ne3A_263 : i32
    %and3A_265 = arith.andi %ne3A_261, %ne3A_264 : i1
    %sub3A_266 = arith.constant 1 : i32
    %sub3A_267 = arith.subi %div3A_246, %sub3A_266 : i32
    %select_n3A_268 = arith.select %and3A_265, %sub3A_267, %div3A_246 : i32
    %mul3A_269 = arith.constant 32 : i32
    %mul3A_270 = arith.muli %select_n3A_268, %mul3A_269 : i32
    %sub3A_271 = arith.subi %add3A_244, %mul3A_270 : i32
    %eq3A_272 = arith.constant 0 : i32
    %eq3A_273 = arith.cmpi eq, %sub3A_271, %eq3A_272 : i32
    %eq3A_274 = arith.constant 4 : i32
    %eq3A_275 = arith.cmpi eq, %sub3A_271, %eq3A_274 : i32
    %or3A_276 = arith.ori %eq3A_273, %eq3A_275 : i1
    %eq3A_277 = arith.constant 8 : i32
    %eq3A_278 = arith.cmpi eq, %sub3A_271, %eq3A_277 : i32
    %or3A_279 = arith.ori %or3A_276, %eq3A_278 : i1
    %eq3A_280 = arith.constant 13 : i32
    %eq3A_281 = arith.cmpi eq, %sub3A_271, %eq3A_280 : i32
    %or3A_282 = arith.ori %or3A_279, %eq3A_281 : i1
    %eq3A_283 = arith.constant 17 : i32
    %eq3A_284 = arith.cmpi eq, %sub3A_271, %eq3A_283 : i32
    %or3A_285 = arith.ori %or3A_282, %eq3A_284 : i1
    %eq3A_286 = arith.constant 22 : i32
    %eq3A_287 = arith.cmpi eq, %sub3A_271, %eq3A_286 : i32
    %or3A_288 = arith.ori %or3A_285, %eq3A_287 : i1
    %eq3A_289 = arith.constant 26 : i32
    %eq3A_290 = arith.cmpi eq, %sub3A_271, %eq3A_289 : i32
    %or3A_291 = arith.ori %or3A_288, %eq3A_290 : i1
    %eq3A_292 = arith.constant 31 : i32
    %eq3A_293 = arith.cmpi eq, %sub3A_271, %eq3A_292 : i32
    %or3A_294 = arith.ori %or3A_291, %eq3A_293 : i1
    %gt3A_295 = arith.constant 0 : i32
    %gt3A_296 = arith.cmpi sgt, %sub3A_271, %gt3A_295 : i32
    %convert_element_type3A_297 = arith.extui %gt3A_296 : i1 to i32
    %add3A_298 = arith.constant 0 : i32
    %add3A_299 = arith.addi %add3A_298, %convert_element_type3A_297 : i32
    %gt3A_300 = arith.constant 4 : i32
    %gt3A_301 = arith.cmpi sgt, %sub3A_271, %gt3A_300 : i32
    %convert_element_type3A_302 = arith.extui %gt3A_301 : i1 to i32
    %add3A_303 = arith.addi %add3A_299, %convert_element_type3A_302 : i32
    %gt3A_304 = arith.constant 8 : i32
    %gt3A_305 = arith.cmpi sgt, %sub3A_271, %gt3A_304 : i32
    %convert_element_type3A_306 = arith.extui %gt3A_305 : i1 to i32
    %add3A_307 = arith.addi %add3A_303, %convert_element_type3A_306 : i32
    %gt3A_308 = arith.constant 13 : i32
    %gt3A_309 = arith.cmpi sgt, %sub3A_271, %gt3A_308 : i32
    %convert_element_type3A_310 = arith.extui %gt3A_309 : i1 to i32
    %add3A_311 = arith.addi %add3A_307, %convert_element_type3A_310 : i32
    %gt3A_312 = arith.constant 17 : i32
    %gt3A_313 = arith.cmpi sgt, %sub3A_271, %gt3A_312 : i32
    %convert_element_type3A_314 = arith.extui %gt3A_313 : i1 to i32
    %add3A_315 = arith.addi %add3A_311, %convert_element_type3A_314 : i32
    %gt3A_316 = arith.constant 22 : i32
    %gt3A_317 = arith.cmpi sgt, %sub3A_271, %gt3A_316 : i32
    %convert_element_type3A_318 = arith.extui %gt3A_317 : i1 to i32
    %add3A_319 = arith.addi %add3A_315, %convert_element_type3A_318 : i32
    %gt3A_320 = arith.constant 26 : i32
    %gt3A_321 = arith.cmpi sgt, %sub3A_271, %gt3A_320 : i32
    %convert_element_type3A_322 = arith.extui %gt3A_321 : i1 to i32
    %add3A_323 = arith.addi %add3A_319, %convert_element_type3A_322 : i32
    %gt3A_324 = arith.constant 31 : i32
    %gt3A_325 = arith.cmpi sgt, %sub3A_271, %gt3A_324 : i32
    %convert_element_type3A_326 = arith.extui %gt3A_325 : i1 to i32
    %add3A_327 = arith.addi %add3A_323, %convert_element_type3A_326 : i32
    %mul3A_328 = arith.constant 8 : i32
    %mul3A_329 = arith.muli %select_n3A_268, %mul3A_328 : i32
    %add3A_330 = arith.addi %mul3A_329, %add3A_327 : i32
    %dma_start3A_331 = arith.constant 1 : i32
    %dma_start3A_332 = arith.constant 0 : i32
    %dma_start3A_333 = tpu.memref_slice %arg4[%add3A_244, %dma_start3A_332] : memref<96x50176xf32, #tpu.memory_space<hbm>> -> memref<1x50176xf32, #tpu.memory_space<hbm>>
    %dma_start3A_334 = tpu.memref_squeeze %dma_start3A_333 : memref<1x50176xf32, #tpu.memory_space<hbm>> -> memref<50176xf32, #tpu.memory_space<hbm>>
    %dma_start3A_335 = tpu.memref_slice %arg8[%dma_start3A_331] : memref<2x!tpu.dma_semaphore, #tpu.memory_space<semaphore_mem>> -> memref<1x!tpu.dma_semaphore, #tpu.memory_space<semaphore_mem>>
    %dma_start3A_336 = tpu.memref_squeeze %dma_start3A_335 : memref<1x!tpu.dma_semaphore, #tpu.memory_space<semaphore_mem>> -> memref<!tpu.dma_semaphore, #tpu.memory_space<semaphore_mem>>
    %dma_start3A_337 = arith.constant 0 : i32
    %dma_start3A_338 = tpu.memref_slice %arg4[%add3A_244, %dma_start3A_337] : memref<96x50176xf32, #tpu.memory_space<hbm>> -> memref<1x50176xf32, #tpu.memory_space<hbm>>
    %dma_start3A_339 = tpu.memref_squeeze %dma_start3A_338 : memref<1x50176xf32, #tpu.memory_space<hbm>> -> memref<50176xf32, #tpu.memory_space<hbm>>
    tpu.enqueue_dma source(%arg6 : memref<50176xf32, #tpu.memory_space<vmem>>) target(%dma_start3A_339 : memref<50176xf32, #tpu.memory_space<hbm>>) target_semaphore(%dma_start3A_336 : memref<!tpu.dma_semaphore, #tpu.memory_space<semaphore_mem>>)
    %convert_element_type3A_340 = arith.extui %or3A_294 : i1 to i32
    %cond3A_341 = arith.constant 0 : i32
    %cond3A_342 = arith.cmpi ne, %convert_element_type3A_340, %cond3A_341 : i32
    scf.if %cond3A_342 {
      %dma_start3A_654 = arith.constant 0 : i32
      %dma_start3A_655 = tpu.memref_slice %arg3[%add3A_330, %dma_start3A_654] : memref<24x50176xf32, #tpu.memory_space<hbm>> -> memref<1x50176xf32, #tpu.memory_space<hbm>>
      %dma_start3A_656 = tpu.memref_squeeze %dma_start3A_655 : memref<1x50176xf32, #tpu.memory_space<hbm>> -> memref<50176xf32, #tpu.memory_space<hbm>>
      %dma_start3A_657 = arith.constant 0 : i32
      %dma_start3A_658 = tpu.memref_slice %arg3[%add3A_330, %dma_start3A_657] : memref<24x50176xf32, #tpu.memory_space<hbm>> -> memref<1x50176xf32, #tpu.memory_space<hbm>>
      %dma_start3A_659 = tpu.memref_squeeze %dma_start3A_658 : memref<1x50176xf32, #tpu.memory_space<hbm>> -> memref<50176xf32, #tpu.memory_space<hbm>>
      tpu.enqueue_dma source(%arg6 : memref<50176xf32, #tpu.memory_space<vmem>>) target(%dma_start3A_659 : memref<50176xf32, #tpu.memory_space<hbm>>) target_semaphore(%arg9 : memref<!tpu.dma_semaphore, #tpu.memory_space<semaphore_mem>>)
    } else {
    }
    %add3A_343 = arith.constant 2 : i32
    %add3A_344 = arith.addi %mul3A_2, %add3A_343 : i32
    %dma_wait3A_345 = arith.constant 0 : i32
    %dma_wait3A_346 = arith.constant 0 : i32
    %dma_wait3A_347 = tpu.memref_slice %arg2[%add3A_344, %dma_wait3A_346] : memref<96x50176xf32, #tpu.memory_space<hbm>> -> memref<1x50176xf32, #tpu.memory_space<hbm>>
    %dma_wait3A_348 = tpu.memref_squeeze %dma_wait3A_347 : memref<1x50176xf32, #tpu.memory_space<hbm>> -> memref<50176xf32, #tpu.memory_space<hbm>>
    %dma_wait3A_349 = tpu.memref_slice %arg7[%dma_wait3A_345] : memref<2x!tpu.dma_semaphore, #tpu.memory_space<semaphore_mem>> -> memref<1x!tpu.dma_semaphore, #tpu.memory_space<semaphore_mem>>
    %dma_wait3A_350 = tpu.memref_squeeze %dma_wait3A_349 : memref<1x!tpu.dma_semaphore, #tpu.memory_space<semaphore_mem>> -> memref<!tpu.dma_semaphore, #tpu.memory_space<semaphore_mem>>
    %dma_wait3A_351 = arith.constant 0 : i32
    %dma_wait3A_352 = tpu.memref_slice %arg2[%add3A_344, %dma_wait3A_351] : memref<96x50176xf32, #tpu.memory_space<hbm>> -> memref<1x50176xf32, #tpu.memory_space<hbm>>
    %dma_wait3A_353 = tpu.memref_squeeze %dma_wait3A_352 : memref<1x50176xf32, #tpu.memory_space<hbm>> -> memref<50176xf32, #tpu.memory_space<hbm>>
    tpu.wait_dma2 semaphore(%dma_wait3A_350 : memref<!tpu.dma_semaphore, #tpu.memory_space<semaphore_mem>>) src(%dma_wait3A_353 : memref<50176xf32, #tpu.memory_space<hbm>>) dst(%arg5 : memref<50176xf32, #tpu.memory_space<vmem>>)
    %add3A_354 = arith.constant 1 : i32
    %add3A_355 = arith.addi %mul3A_2, %add3A_354 : i32
    %jit3A_356 = arith.constant 32 : i32
    %div3A_357 = arith.divsi %add3A_355, %jit3A_356 : i32
    %sign3A_358 = arith.constant 0 : i32
    %sign3A_359 = arith.cmpi sgt, %add3A_355, %sign3A_358 : i32
    %sign3A_360 = arith.extui %sign3A_359 : i1 to i32
    %sign3A_361 = arith.constant 0 : i32
    %sign3A_362 = arith.cmpi slt, %add3A_355, %sign3A_361 : i32
    %sign3A_363 = arith.extui %sign3A_362 : i1 to i32
    %sign3A_364 = arith.subi %sign3A_360, %sign3A_363 : i32
    %sign3A_365 = arith.constant 0 : i32
    %sign3A_366 = arith.cmpi sgt, %jit3A_356, %sign3A_365 : i32
    %sign3A_367 = arith.extui %sign3A_366 : i1 to i32
    %sign3A_368 = arith.constant 0 : i32
    %sign3A_369 = arith.cmpi slt, %jit3A_356, %sign3A_368 : i32
    %sign3A_370 = arith.extui %sign3A_369 : i1 to i32
    %sign3A_371 = arith.subi %sign3A_367, %sign3A_370 : i32
    %ne3A_372 = arith.cmpi ne, %sign3A_364, %sign3A_371 : i32
    %rem3A_373 = arith.remsi %add3A_355, %jit3A_356 : i32
    %ne3A_374 = arith.constant 0 : i32
    %ne3A_375 = arith.cmpi ne, %rem3A_373, %ne3A_374 : i32
    %and3A_376 = arith.andi %ne3A_372, %ne3A_375 : i1
    %sub3A_377 = arith.constant 1 : i32
    %sub3A_378 = arith.subi %div3A_357, %sub3A_377 : i32
    %select_n3A_379 = arith.select %and3A_376, %sub3A_378, %div3A_357 : i32
    %mul3A_380 = arith.constant 32 : i32
    %mul3A_381 = arith.muli %select_n3A_379, %mul3A_380 : i32
    %sub3A_382 = arith.subi %add3A_355, %mul3A_381 : i32
    %eq3A_383 = arith.constant 0 : i32
    %eq3A_384 = arith.cmpi eq, %sub3A_382, %eq3A_383 : i32
    %eq3A_385 = arith.constant 4 : i32
    %eq3A_386 = arith.cmpi eq, %sub3A_382, %eq3A_385 : i32
    %or3A_387 = arith.ori %eq3A_384, %eq3A_386 : i1
    %eq3A_388 = arith.constant 8 : i32
    %eq3A_389 = arith.cmpi eq, %sub3A_382, %eq3A_388 : i32
    %or3A_390 = arith.ori %or3A_387, %eq3A_389 : i1
    %eq3A_391 = arith.constant 13 : i32
    %eq3A_392 = arith.cmpi eq, %sub3A_382, %eq3A_391 : i32
    %or3A_393 = arith.ori %or3A_390, %eq3A_392 : i1
    %eq3A_394 = arith.constant 17 : i32
    %eq3A_395 = arith.cmpi eq, %sub3A_382, %eq3A_394 : i32
    %or3A_396 = arith.ori %or3A_393, %eq3A_395 : i1
    %eq3A_397 = arith.constant 22 : i32
    %eq3A_398 = arith.cmpi eq, %sub3A_382, %eq3A_397 : i32
    %or3A_399 = arith.ori %or3A_396, %eq3A_398 : i1
    %eq3A_400 = arith.constant 26 : i32
    %eq3A_401 = arith.cmpi eq, %sub3A_382, %eq3A_400 : i32
    %or3A_402 = arith.ori %or3A_399, %eq3A_401 : i1
    %eq3A_403 = arith.constant 31 : i32
    %eq3A_404 = arith.cmpi eq, %sub3A_382, %eq3A_403 : i32
    %or3A_405 = arith.ori %or3A_402, %eq3A_404 : i1
    %gt3A_406 = arith.constant 0 : i32
    %gt3A_407 = arith.cmpi sgt, %sub3A_382, %gt3A_406 : i32
    %convert_element_type3A_408 = arith.extui %gt3A_407 : i1 to i32
    %add3A_409 = arith.constant 0 : i32
    %add3A_410 = arith.addi %add3A_409, %convert_element_type3A_408 : i32
    %gt3A_411 = arith.constant 4 : i32
    %gt3A_412 = arith.cmpi sgt, %sub3A_382, %gt3A_411 : i32
    %convert_element_type3A_413 = arith.extui %gt3A_412 : i1 to i32
    %add3A_414 = arith.addi %add3A_410, %convert_element_type3A_413 : i32
    %gt3A_415 = arith.constant 8 : i32
    %gt3A_416 = arith.cmpi sgt, %sub3A_382, %gt3A_415 : i32
    %convert_element_type3A_417 = arith.extui %gt3A_416 : i1 to i32
    %add3A_418 = arith.addi %add3A_414, %convert_element_type3A_417 : i32
    %gt3A_419 = arith.constant 13 : i32
    %gt3A_420 = arith.cmpi sgt, %sub3A_382, %gt3A_419 : i32
    %convert_element_type3A_421 = arith.extui %gt3A_420 : i1 to i32
    %add3A_422 = arith.addi %add3A_418, %convert_element_type3A_421 : i32
    %gt3A_423 = arith.constant 17 : i32
    %gt3A_424 = arith.cmpi sgt, %sub3A_382, %gt3A_423 : i32
    %convert_element_type3A_425 = arith.extui %gt3A_424 : i1 to i32
    %add3A_426 = arith.addi %add3A_422, %convert_element_type3A_425 : i32
    %gt3A_427 = arith.constant 22 : i32
    %gt3A_428 = arith.cmpi sgt, %sub3A_382, %gt3A_427 : i32
    %convert_element_type3A_429 = arith.extui %gt3A_428 : i1 to i32
    %add3A_430 = arith.addi %add3A_426, %convert_element_type3A_429 : i32
    %gt3A_431 = arith.constant 26 : i32
    %gt3A_432 = arith.cmpi sgt, %sub3A_382, %gt3A_431 : i32
    %convert_element_type3A_433 = arith.extui %gt3A_432 : i1 to i32
    %add3A_434 = arith.addi %add3A_430, %convert_element_type3A_433 : i32
    %gt3A_435 = arith.constant 31 : i32
    %gt3A_436 = arith.cmpi sgt, %sub3A_382, %gt3A_435 : i32
    %convert_element_type3A_437 = arith.extui %gt3A_436 : i1 to i32
    %add3A_438 = arith.addi %add3A_434, %convert_element_type3A_437 : i32
    %mul3A_439 = arith.constant 8 : i32
    %mul3A_440 = arith.muli %select_n3A_379, %mul3A_439 : i32
    %add3A_441 = arith.addi %mul3A_440, %add3A_438 : i32
    %dma_wait3A_442 = arith.constant 1 : i32
    %dma_wait3A_443 = arith.constant 0 : i32
    %dma_wait3A_444 = tpu.memref_slice %arg4[%add3A_355, %dma_wait3A_443] : memref<96x50176xf32, #tpu.memory_space<hbm>> -> memref<1x50176xf32, #tpu.memory_space<hbm>>
    %dma_wait3A_445 = tpu.memref_squeeze %dma_wait3A_444 : memref<1x50176xf32, #tpu.memory_space<hbm>> -> memref<50176xf32, #tpu.memory_space<hbm>>
    %dma_wait3A_446 = tpu.memref_slice %arg8[%dma_wait3A_442] : memref<2x!tpu.dma_semaphore, #tpu.memory_space<semaphore_mem>> -> memref<1x!tpu.dma_semaphore, #tpu.memory_space<semaphore_mem>>
    %dma_wait3A_447 = tpu.memref_squeeze %dma_wait3A_446 : memref<1x!tpu.dma_semaphore, #tpu.memory_space<semaphore_mem>> -> memref<!tpu.dma_semaphore, #tpu.memory_space<semaphore_mem>>
    %dma_wait3A_448 = arith.constant 0 : i32
    %dma_wait3A_449 = tpu.memref_slice %arg4[%add3A_355, %dma_wait3A_448] : memref<96x50176xf32, #tpu.memory_space<hbm>> -> memref<1x50176xf32, #tpu.memory_space<hbm>>
    %dma_wait3A_450 = tpu.memref_squeeze %dma_wait3A_449 : memref<1x50176xf32, #tpu.memory_space<hbm>> -> memref<50176xf32, #tpu.memory_space<hbm>>
    tpu.wait_dma2 semaphore(%dma_wait3A_447 : memref<!tpu.dma_semaphore, #tpu.memory_space<semaphore_mem>>) src(%arg6 : memref<50176xf32, #tpu.memory_space<vmem>>) dst(%dma_wait3A_450 : memref<50176xf32, #tpu.memory_space<hbm>>)
    %convert_element_type3A_451 = arith.extui %or3A_405 : i1 to i32
    %cond3A_452 = arith.constant 0 : i32
    %cond3A_453 = arith.cmpi ne, %convert_element_type3A_451, %cond3A_452 : i32
    scf.if %cond3A_453 {
      %dma_wait3A_654 = arith.constant 0 : i32
      %dma_wait3A_655 = tpu.memref_slice %arg3[%add3A_441, %dma_wait3A_654] : memref<24x50176xf32, #tpu.memory_space<hbm>> -> memref<1x50176xf32, #tpu.memory_space<hbm>>
      %dma_wait3A_656 = tpu.memref_squeeze %dma_wait3A_655 : memref<1x50176xf32, #tpu.memory_space<hbm>> -> memref<50176xf32, #tpu.memory_space<hbm>>
      %dma_wait3A_657 = arith.constant 0 : i32
      %dma_wait3A_658 = tpu.memref_slice %arg3[%add3A_441, %dma_wait3A_657] : memref<24x50176xf32, #tpu.memory_space<hbm>> -> memref<1x50176xf32, #tpu.memory_space<hbm>>
      %dma_wait3A_659 = tpu.memref_squeeze %dma_wait3A_658 : memref<1x50176xf32, #tpu.memory_space<hbm>> -> memref<50176xf32, #tpu.memory_space<hbm>>
      tpu.wait_dma2 semaphore(%arg9 : memref<!tpu.dma_semaphore, #tpu.memory_space<semaphore_mem>>) src(%arg6 : memref<50176xf32, #tpu.memory_space<vmem>>) dst(%dma_wait3A_659 : memref<50176xf32, #tpu.memory_space<hbm>>)
    } else {
    }
    %add3A_454 = arith.constant 2 : i32
    %add3A_455 = arith.addi %mul3A_2, %add3A_454 : i32
    %jit3A_456 = arith.constant 32 : i32
    %div3A_457 = arith.divsi %add3A_455, %jit3A_456 : i32
    %sign3A_458 = arith.constant 0 : i32
    %sign3A_459 = arith.cmpi sgt, %add3A_455, %sign3A_458 : i32
    %sign3A_460 = arith.extui %sign3A_459 : i1 to i32
    %sign3A_461 = arith.constant 0 : i32
    %sign3A_462 = arith.cmpi slt, %add3A_455, %sign3A_461 : i32
    %sign3A_463 = arith.extui %sign3A_462 : i1 to i32
    %sign3A_464 = arith.subi %sign3A_460, %sign3A_463 : i32
    %sign3A_465 = arith.constant 0 : i32
    %sign3A_466 = arith.cmpi sgt, %jit3A_456, %sign3A_465 : i32
    %sign3A_467 = arith.extui %sign3A_466 : i1 to i32
    %sign3A_468 = arith.constant 0 : i32
    %sign3A_469 = arith.cmpi slt, %jit3A_456, %sign3A_468 : i32
    %sign3A_470 = arith.extui %sign3A_469 : i1 to i32
    %sign3A_471 = arith.subi %sign3A_467, %sign3A_470 : i32
    %ne3A_472 = arith.cmpi ne, %sign3A_464, %sign3A_471 : i32
    %rem3A_473 = arith.remsi %add3A_455, %jit3A_456 : i32
    %ne3A_474 = arith.constant 0 : i32
    %ne3A_475 = arith.cmpi ne, %rem3A_473, %ne3A_474 : i32
    %and3A_476 = arith.andi %ne3A_472, %ne3A_475 : i1
    %sub3A_477 = arith.constant 1 : i32
    %sub3A_478 = arith.subi %div3A_457, %sub3A_477 : i32
    %select_n3A_479 = arith.select %and3A_476, %sub3A_478, %div3A_457 : i32
    %mul3A_480 = arith.constant 32 : i32
    %mul3A_481 = arith.muli %select_n3A_479, %mul3A_480 : i32
    %sub3A_482 = arith.subi %add3A_455, %mul3A_481 : i32
    %eq3A_483 = arith.constant 0 : i32
    %eq3A_484 = arith.cmpi eq, %sub3A_482, %eq3A_483 : i32
    %eq3A_485 = arith.constant 4 : i32
    %eq3A_486 = arith.cmpi eq, %sub3A_482, %eq3A_485 : i32
    %or3A_487 = arith.ori %eq3A_484, %eq3A_486 : i1
    %eq3A_488 = arith.constant 8 : i32
    %eq3A_489 = arith.cmpi eq, %sub3A_482, %eq3A_488 : i32
    %or3A_490 = arith.ori %or3A_487, %eq3A_489 : i1
    %eq3A_491 = arith.constant 13 : i32
    %eq3A_492 = arith.cmpi eq, %sub3A_482, %eq3A_491 : i32
    %or3A_493 = arith.ori %or3A_490, %eq3A_492 : i1
    %eq3A_494 = arith.constant 17 : i32
    %eq3A_495 = arith.cmpi eq, %sub3A_482, %eq3A_494 : i32
    %or3A_496 = arith.ori %or3A_493, %eq3A_495 : i1
    %eq3A_497 = arith.constant 22 : i32
    %eq3A_498 = arith.cmpi eq, %sub3A_482, %eq3A_497 : i32
    %or3A_499 = arith.ori %or3A_496, %eq3A_498 : i1
    %eq3A_500 = arith.constant 26 : i32
    %eq3A_501 = arith.cmpi eq, %sub3A_482, %eq3A_500 : i32
    %or3A_502 = arith.ori %or3A_499, %eq3A_501 : i1
    %eq3A_503 = arith.constant 31 : i32
    %eq3A_504 = arith.cmpi eq, %sub3A_482, %eq3A_503 : i32
    %or3A_505 = arith.ori %or3A_502, %eq3A_504 : i1
    %gt3A_506 = arith.constant 0 : i32
    %gt3A_507 = arith.cmpi sgt, %sub3A_482, %gt3A_506 : i32
    %convert_element_type3A_508 = arith.extui %gt3A_507 : i1 to i32
    %add3A_509 = arith.constant 0 : i32
    %add3A_510 = arith.addi %add3A_509, %convert_element_type3A_508 : i32
    %gt3A_511 = arith.constant 4 : i32
    %gt3A_512 = arith.cmpi sgt, %sub3A_482, %gt3A_511 : i32
    %convert_element_type3A_513 = arith.extui %gt3A_512 : i1 to i32
    %add3A_514 = arith.addi %add3A_510, %convert_element_type3A_513 : i32
    %gt3A_515 = arith.constant 8 : i32
    %gt3A_516 = arith.cmpi sgt, %sub3A_482, %gt3A_515 : i32
    %convert_element_type3A_517 = arith.extui %gt3A_516 : i1 to i32
    %add3A_518 = arith.addi %add3A_514, %convert_element_type3A_517 : i32
    %gt3A_519 = arith.constant 13 : i32
    %gt3A_520 = arith.cmpi sgt, %sub3A_482, %gt3A_519 : i32
    %convert_element_type3A_521 = arith.extui %gt3A_520 : i1 to i32
    %add3A_522 = arith.addi %add3A_518, %convert_element_type3A_521 : i32
    %gt3A_523 = arith.constant 17 : i32
    %gt3A_524 = arith.cmpi sgt, %sub3A_482, %gt3A_523 : i32
    %convert_element_type3A_525 = arith.extui %gt3A_524 : i1 to i32
    %add3A_526 = arith.addi %add3A_522, %convert_element_type3A_525 : i32
    %gt3A_527 = arith.constant 22 : i32
    %gt3A_528 = arith.cmpi sgt, %sub3A_482, %gt3A_527 : i32
    %convert_element_type3A_529 = arith.extui %gt3A_528 : i1 to i32
    %add3A_530 = arith.addi %add3A_526, %convert_element_type3A_529 : i32
    %gt3A_531 = arith.constant 26 : i32
    %gt3A_532 = arith.cmpi sgt, %sub3A_482, %gt3A_531 : i32
    %convert_element_type3A_533 = arith.extui %gt3A_532 : i1 to i32
    %add3A_534 = arith.addi %add3A_530, %convert_element_type3A_533 : i32
    %gt3A_535 = arith.constant 31 : i32
    %gt3A_536 = arith.cmpi sgt, %sub3A_482, %gt3A_535 : i32
    %convert_element_type3A_537 = arith.extui %gt3A_536 : i1 to i32
    %add3A_538 = arith.addi %add3A_534, %convert_element_type3A_537 : i32
    %mul3A_539 = arith.constant 8 : i32
    %mul3A_540 = arith.muli %select_n3A_479, %mul3A_539 : i32
    %add3A_541 = arith.addi %mul3A_540, %add3A_538 : i32
    %dma_start3A_542 = arith.constant 0 : i32
    %dma_start3A_543 = arith.constant 0 : i32
    %dma_start3A_544 = tpu.memref_slice %arg4[%add3A_455, %dma_start3A_543] : memref<96x50176xf32, #tpu.memory_space<hbm>> -> memref<1x50176xf32, #tpu.memory_space<hbm>>
    %dma_start3A_545 = tpu.memref_squeeze %dma_start3A_544 : memref<1x50176xf32, #tpu.memory_space<hbm>> -> memref<50176xf32, #tpu.memory_space<hbm>>
    %dma_start3A_546 = tpu.memref_slice %arg8[%dma_start3A_542] : memref<2x!tpu.dma_semaphore, #tpu.memory_space<semaphore_mem>> -> memref<1x!tpu.dma_semaphore, #tpu.memory_space<semaphore_mem>>
    %dma_start3A_547 = tpu.memref_squeeze %dma_start3A_546 : memref<1x!tpu.dma_semaphore, #tpu.memory_space<semaphore_mem>> -> memref<!tpu.dma_semaphore, #tpu.memory_space<semaphore_mem>>
    %dma_start3A_548 = arith.constant 0 : i32
    %dma_start3A_549 = tpu.memref_slice %arg4[%add3A_455, %dma_start3A_548] : memref<96x50176xf32, #tpu.memory_space<hbm>> -> memref<1x50176xf32, #tpu.memory_space<hbm>>
    %dma_start3A_550 = tpu.memref_squeeze %dma_start3A_549 : memref<1x50176xf32, #tpu.memory_space<hbm>> -> memref<50176xf32, #tpu.memory_space<hbm>>
    tpu.enqueue_dma source(%arg5 : memref<50176xf32, #tpu.memory_space<vmem>>) target(%dma_start3A_550 : memref<50176xf32, #tpu.memory_space<hbm>>) target_semaphore(%dma_start3A_547 : memref<!tpu.dma_semaphore, #tpu.memory_space<semaphore_mem>>)
    %convert_element_type3A_551 = arith.extui %or3A_505 : i1 to i32
    %cond3A_552 = arith.constant 0 : i32
    %cond3A_553 = arith.cmpi ne, %convert_element_type3A_551, %cond3A_552 : i32
    scf.if %cond3A_553 {
      %dma_start3A_654 = arith.constant 0 : i32
      %dma_start3A_655 = tpu.memref_slice %arg3[%add3A_541, %dma_start3A_654] : memref<24x50176xf32, #tpu.memory_space<hbm>> -> memref<1x50176xf32, #tpu.memory_space<hbm>>
      %dma_start3A_656 = tpu.memref_squeeze %dma_start3A_655 : memref<1x50176xf32, #tpu.memory_space<hbm>> -> memref<50176xf32, #tpu.memory_space<hbm>>
      %dma_start3A_657 = arith.constant 0 : i32
      %dma_start3A_658 = tpu.memref_slice %arg3[%add3A_541, %dma_start3A_657] : memref<24x50176xf32, #tpu.memory_space<hbm>> -> memref<1x50176xf32, #tpu.memory_space<hbm>>
      %dma_start3A_659 = tpu.memref_squeeze %dma_start3A_658 : memref<1x50176xf32, #tpu.memory_space<hbm>> -> memref<50176xf32, #tpu.memory_space<hbm>>
      tpu.enqueue_dma source(%arg5 : memref<50176xf32, #tpu.memory_space<vmem>>) target(%dma_start3A_659 : memref<50176xf32, #tpu.memory_space<hbm>>) target_semaphore(%arg9 : memref<!tpu.dma_semaphore, #tpu.memory_space<semaphore_mem>>)
    } else {
    }
    %add3A_554 = arith.constant 2 : i32
    %add3A_555 = arith.addi %mul3A_2, %add3A_554 : i32
    %jit3A_556 = arith.constant 32 : i32
    %div3A_557 = arith.divsi %add3A_555, %jit3A_556 : i32
    %sign3A_558 = arith.constant 0 : i32
    %sign3A_559 = arith.cmpi sgt, %add3A_555, %sign3A_558 : i32
    %sign3A_560 = arith.extui %sign3A_559 : i1 to i32
    %sign3A_561 = arith.constant 0 : i32
    %sign3A_562 = arith.cmpi slt, %add3A_555, %sign3A_561 : i32
    %sign3A_563 = arith.extui %sign3A_562 : i1 to i32
    %sign3A_564 = arith.subi %sign3A_560, %sign3A_563 : i32
    %sign3A_565 = arith.constant 0 : i32
    %sign3A_566 = arith.cmpi sgt, %jit3A_556, %sign3A_565 : i32
    %sign3A_567 = arith.extui %sign3A_566 : i1 to i32
    %sign3A_568 = arith.constant 0 : i32
    %sign3A_569 = arith.cmpi slt, %jit3A_556, %sign3A_568 : i32
    %sign3A_570 = arith.extui %sign3A_569 : i1 to i32
    %sign3A_571 = arith.subi %sign3A_567, %sign3A_570 : i32
    %ne3A_572 = arith.cmpi ne, %sign3A_564, %sign3A_571 : i32
    %rem3A_573 = arith.remsi %add3A_555, %jit3A_556 : i32
    %ne3A_574 = arith.constant 0 : i32
    %ne3A_575 = arith.cmpi ne, %rem3A_573, %ne3A_574 : i32
    %and3A_576 = arith.andi %ne3A_572, %ne3A_575 : i1
    %sub3A_577 = arith.constant 1 : i32
    %sub3A_578 = arith.subi %div3A_557, %sub3A_577 : i32
    %select_n3A_579 = arith.select %and3A_576, %sub3A_578, %div3A_557 : i32
    %mul3A_580 = arith.constant 32 : i32
    %mul3A_581 = arith.muli %select_n3A_579, %mul3A_580 : i32
    %sub3A_582 = arith.subi %add3A_555, %mul3A_581 : i32
    %eq3A_583 = arith.constant 0 : i32
    %eq3A_584 = arith.cmpi eq, %sub3A_582, %eq3A_583 : i32
    %eq3A_585 = arith.constant 4 : i32
    %eq3A_586 = arith.cmpi eq, %sub3A_582, %eq3A_585 : i32
    %or3A_587 = arith.ori %eq3A_584, %eq3A_586 : i1
    %eq3A_588 = arith.constant 8 : i32
    %eq3A_589 = arith.cmpi eq, %sub3A_582, %eq3A_588 : i32
    %or3A_590 = arith.ori %or3A_587, %eq3A_589 : i1
    %eq3A_591 = arith.constant 13 : i32
    %eq3A_592 = arith.cmpi eq, %sub3A_582, %eq3A_591 : i32
    %or3A_593 = arith.ori %or3A_590, %eq3A_592 : i1
    %eq3A_594 = arith.constant 17 : i32
    %eq3A_595 = arith.cmpi eq, %sub3A_582, %eq3A_594 : i32
    %or3A_596 = arith.ori %or3A_593, %eq3A_595 : i1
    %eq3A_597 = arith.constant 22 : i32
    %eq3A_598 = arith.cmpi eq, %sub3A_582, %eq3A_597 : i32
    %or3A_599 = arith.ori %or3A_596, %eq3A_598 : i1
    %eq3A_600 = arith.constant 26 : i32
    %eq3A_601 = arith.cmpi eq, %sub3A_582, %eq3A_600 : i32
    %or3A_602 = arith.ori %or3A_599, %eq3A_601 : i1
    %eq3A_603 = arith.constant 31 : i32
    %eq3A_604 = arith.cmpi eq, %sub3A_582, %eq3A_603 : i32
    %or3A_605 = arith.ori %or3A_602, %eq3A_604 : i1
    %gt3A_606 = arith.constant 0 : i32
    %gt3A_607 = arith.cmpi sgt, %sub3A_582, %gt3A_606 : i32
    %convert_element_type3A_608 = arith.extui %gt3A_607 : i1 to i32
    %add3A_609 = arith.constant 0 : i32
    %add3A_610 = arith.addi %add3A_609, %convert_element_type3A_608 : i32
    %gt3A_611 = arith.constant 4 : i32
    %gt3A_612 = arith.cmpi sgt, %sub3A_582, %gt3A_611 : i32
    %convert_element_type3A_613 = arith.extui %gt3A_612 : i1 to i32
    %add3A_614 = arith.addi %add3A_610, %convert_element_type3A_613 : i32
    %gt3A_615 = arith.constant 8 : i32
    %gt3A_616 = arith.cmpi sgt, %sub3A_582, %gt3A_615 : i32
    %convert_element_type3A_617 = arith.extui %gt3A_616 : i1 to i32
    %add3A_618 = arith.addi %add3A_614, %convert_element_type3A_617 : i32
    %gt3A_619 = arith.constant 13 : i32
    %gt3A_620 = arith.cmpi sgt, %sub3A_582, %gt3A_619 : i32
    %convert_element_type3A_621 = arith.extui %gt3A_620 : i1 to i32
    %add3A_622 = arith.addi %add3A_618, %convert_element_type3A_621 : i32
    %gt3A_623 = arith.constant 17 : i32
    %gt3A_624 = arith.cmpi sgt, %sub3A_582, %gt3A_623 : i32
    %convert_element_type3A_625 = arith.extui %gt3A_624 : i1 to i32
    %add3A_626 = arith.addi %add3A_622, %convert_element_type3A_625 : i32
    %gt3A_627 = arith.constant 22 : i32
    %gt3A_628 = arith.cmpi sgt, %sub3A_582, %gt3A_627 : i32
    %convert_element_type3A_629 = arith.extui %gt3A_628 : i1 to i32
    %add3A_630 = arith.addi %add3A_626, %convert_element_type3A_629 : i32
    %gt3A_631 = arith.constant 26 : i32
    %gt3A_632 = arith.cmpi sgt, %sub3A_582, %gt3A_631 : i32
    %convert_element_type3A_633 = arith.extui %gt3A_632 : i1 to i32
    %add3A_634 = arith.addi %add3A_630, %convert_element_type3A_633 : i32
    %gt3A_635 = arith.constant 31 : i32
    %gt3A_636 = arith.cmpi sgt, %sub3A_582, %gt3A_635 : i32
    %convert_element_type3A_637 = arith.extui %gt3A_636 : i1 to i32
    %add3A_638 = arith.addi %add3A_634, %convert_element_type3A_637 : i32
    %mul3A_639 = arith.constant 8 : i32
    %mul3A_640 = arith.muli %select_n3A_579, %mul3A_639 : i32
    %add3A_641 = arith.addi %mul3A_640, %add3A_638 : i32
    %dma_wait3A_642 = arith.constant 0 : i32
    %dma_wait3A_643 = arith.constant 0 : i32
    %dma_wait3A_644 = tpu.memref_slice %arg4[%add3A_555, %dma_wait3A_643] : memref<96x50176xf32, #tpu.memory_space<hbm>> -> memref<1x50176xf32, #tpu.memory_space<hbm>>
    %dma_wait3A_645 = tpu.memref_squeeze %dma_wait3A_644 : memref<1x50176xf32, #tpu.memory_space<hbm>> -> memref<50176xf32, #tpu.memory_space<hbm>>
    %dma_wait3A_646 = tpu.memref_slice %arg8[%dma_wait3A_642] : memref<2x!tpu.dma_semaphore, #tpu.memory_space<semaphore_mem>> -> memref<1x!tpu.dma_semaphore, #tpu.memory_space<semaphore_mem>>
    %dma_wait3A_647 = tpu.memref_squeeze %dma_wait3A_646 : memref<1x!tpu.dma_semaphore, #tpu.memory_space<semaphore_mem>> -> memref<!tpu.dma_semaphore, #tpu.memory_space<semaphore_mem>>
    %dma_wait3A_648 = arith.constant 0 : i32
    %dma_wait3A_649 = tpu.memref_slice %arg4[%add3A_555, %dma_wait3A_648] : memref<96x50176xf32, #tpu.memory_space<hbm>> -> memref<1x50176xf32, #tpu.memory_space<hbm>>
    %dma_wait3A_650 = tpu.memref_squeeze %dma_wait3A_649 : memref<1x50176xf32, #tpu.memory_space<hbm>> -> memref<50176xf32, #tpu.memory_space<hbm>>
    tpu.wait_dma2 semaphore(%dma_wait3A_647 : memref<!tpu.dma_semaphore, #tpu.memory_space<semaphore_mem>>) src(%arg5 : memref<50176xf32, #tpu.memory_space<vmem>>) dst(%dma_wait3A_650 : memref<50176xf32, #tpu.memory_space<hbm>>)
    %convert_element_type3A_651 = arith.extui %or3A_605 : i1 to i32
    %cond3A_652 = arith.constant 0 : i32
    %cond3A_653 = arith.cmpi ne, %convert_element_type3A_651, %cond3A_652 : i32
    scf.if %cond3A_653 {
      %dma_wait3A_654 = arith.constant 0 : i32
      %dma_wait3A_655 = tpu.memref_slice %arg3[%add3A_641, %dma_wait3A_654] : memref<24x50176xf32, #tpu.memory_space<hbm>> -> memref<1x50176xf32, #tpu.memory_space<hbm>>
      %dma_wait3A_656 = tpu.memref_squeeze %dma_wait3A_655 : memref<1x50176xf32, #tpu.memory_space<hbm>> -> memref<50176xf32, #tpu.memory_space<hbm>>
      %dma_wait3A_657 = arith.constant 0 : i32
      %dma_wait3A_658 = tpu.memref_slice %arg3[%add3A_641, %dma_wait3A_657] : memref<24x50176xf32, #tpu.memory_space<hbm>> -> memref<1x50176xf32, #tpu.memory_space<hbm>>
      %dma_wait3A_659 = tpu.memref_squeeze %dma_wait3A_658 : memref<1x50176xf32, #tpu.memory_space<hbm>> -> memref<50176xf32, #tpu.memory_space<hbm>>
      tpu.wait_dma2 semaphore(%arg9 : memref<!tpu.dma_semaphore, #tpu.memory_space<semaphore_mem>>) src(%arg5 : memref<50176xf32, #tpu.memory_space<vmem>>) dst(%dma_wait3A_659 : memref<50176xf32, #tpu.memory_space<hbm>>)
    } else {
    }
    return
  }
}

</mosaic_0001>

<sc_bundles>
// kernel: kernel.3.cloned.1.call-start
scs
__scs_entry_jumppad:
0x0: {  	(pc) =	sbr.rel $0x88, $3  }
0x1: {  	(tag) =	ssettag $0x0;
	lr =	simm.s32 $0x1  }
0x2: {  	[smem:$0x3FA0] =	sst lr;
	_ =	strace $0xD0000000  }
0x3: {  	_ = 	snop  }
0x4: {  	_ = 	snop  }
0x5: {  	_ = 	snop  }
0x6: {  	_ = 	snop  }
0x7: {  	_ = 	snop  }
__scs_overlays_trampoline_lowered:
0x8: {  	[smem:$0x3FAF] =	sst s0  }
0x9: {  	[smem:$0x3FB0] =	sst s1  }
0xa: {  	[smem:$0x3FB1] =	sst s2  }
0xb: {  	[smem:$0x3FB2] =	sst s3  }
0xc: {  	[smem:$0x3FB3] =	sst s4  }
0xd: {  	[smem:$0x3FB4] =	sst s5  }
0xe: {  	[smem:$0x3FB5] =	sst s6  }
0xf: {  	[smem:$0x3FB6] =	sst s7  }
0x10: {  	[smem:$0x3FB7] =	sst s8  }
0x11: {  	[smem:$0x3FB8] =	sst s9;
	s0 =	simm.s32 @!p0 $0x0  }
0x12: {  	s1 =	sld [smem:$0x3F9E];
	s0 =	simm.s32 @p0 $0x1  }
0x13: {  	[smem:$0x3FB9] =	sst s0;
	s0 =	simm.s32 @!p1 $0x0  }
0x14: {  	s2 =	sld [smem:$0x3F9D];
	s0 =	simm.s32 @p1 $0x1  }
0x15: {  	[smem:$0x3FBA] =	sst s0;
	s0 =	simm.s32 @!p2 $0x0  }
0x16: {  	s3 =	sld [smem:$0x3FDB];
	s0 =	simm.s32 @p2 $0x1  }
0x17: {  	s4 =	simm.s32 $0x1BF5;
	[smem:$0x3FBC] =	sst s0  }
0x18: {  	s0 =	sld [smem:$0x3F9F];
	_ =	swait.ge [sflag:s4], $0x0  }
0x19: {  	s7 =	sld [smem:$0x3FA0]  }
0x1a: {  	s8 =	sadd.s32 $0xFFFFE003, lr  }
0x1b: {  	s9 =	sadd.s32 $0xFFFFFEF7, lr;
	s5 =	simm.s32 $0xFFFFFFFF;
	p2 =	slt.u32 s8, $0xFFFFF086  }
0x1c: {  	p1 =	slt.u32 s9, $0xF7A;
	s5 =	simm.s32 @!p2 $0x0  }
0x1d: {  	s5 =	simm.s32 @p1 $0x1;
	p0 =	seq.s32 s7, s2  }
0x1e: {  	s7 =	smul.u32 @!p0 $0xF7A, s2;
	p2 =	seq.s32 @!p0 s5, $0x0  }
0x1f: {  	s9 =	smul.u32 $0xF7A, s1;
	s8 =	simm.s32 @!p0 $0x1BF5;
	p2 =	por !p2, p0  }
0x20: {  	[sflag:s8] =	ssyncset.s32 @!p0 $0xFFFFF086;
	s6 =	sadd.s32 @!p0 s3, s7;
	s7 =	simm.s32 @!p0 $0x108  }
0x21: {  	s3 =	sadd.s32 s3, s9;
	s6 =	sadd.s32 @!p0 $0x88, s6;
	s7 =	simm.s32 @p2 $0x1082  }
0x22: {  	[simem:s7], [sflag:s8] =	dma.local @!p0 [hbm:s6], $0xF7A  }
0x23: {  	s9 =	sor.u32 $0xD0000000, s2;
	s6 =	simm.s32 $0x108;
	_ =	swait.ge @!p0 [sflag:s8], $0x0  }
0x24: {  	s3 =	sadd.s32 $0x88, s3;
	s6 =	simm.s32 @!p1 $0x1082;
	[sflag:s4] =	ssyncset.s32 $0xFFFFF086  }
0x25: {  	[simem:s6], [sflag:s4] =	dma.local [hbm:s3], $0xF7A  }
0x26: {  	[smem:$0x3FA0] =	sst s1;
	(tag) =	ssettag s2;
	_ =	strace s9  }
0x27: {  	s1 =	sld [smem:$0x3FB0]  }
0x28: {  	s2 =	sld [smem:$0x3FB1]  }
0x29: {  	s4 =	sld [smem:$0x3FB3]  }
0x2a: {  	p0 =	seq.s32 s5, $0x0;
	s5 =	sld [smem:$0x3FB4]  }
0x2b: {  	s6 =	sld [smem:$0x3FB5]  }
0x2c: {  	s7 =	sld [smem:$0x3FB6]  }
0x2d: {  	s3 =	simm.s32 $0x108;
	s8 =	sld [smem:$0x3FB7]  }
0x2e: {  	s3 =	simm.s32 @!p0 $0x1082;
	s9 =	sld [smem:$0x3FB8]  }
0x2f: {  	lr =	sadd.s32 s0, s3;
	s0 =	sld [smem:$0x3FAF]  }
0x30: {  	s3 =	sld [smem:$0x3FB2]  }
0x31: {  	[smem:$0x3FBB] =	sst s10  }
0x32: {  	s10 =	sld [smem:$0x3FB9];
	_ =	sdelay $0x3  }
0x33: {  	p0 =	seq.s32 s10, $0x1;
	s10 =	sld [smem:$0x3FBB];
	_ =	sdelay $0x3  }
0x34: {  	[smem:$0x3FBB] =	sst s10  }
0x35: {  	s10 =	sld [smem:$0x3FBA];
	_ =	sdelay $0x3  }
0x36: {  	p1 =	seq.s32 s10, $0x1;
	s10 =	sld [smem:$0x3FBB];
	_ =	sdelay $0x3  }
0x37: {  	[smem:$0x3FBB] =	sst s10  }
0x38: {  	s10 =	sld [smem:$0x3FBC]  }
0x39: {  	_ = 	snop;
	(pc) =	sbr.ind lr, $3  }
0x3a: {  	_ = 	snop  }
0x3b: {  	_ = 	snop  }
0x3c: {  	p2 =	seq.s32 s10, $0x1;
	s10 =	sld [smem:$0x3FBB]  }
0x3d: {  	_ =	shalt  }
0x3e: {  	_ =	shalt  }
0x3f: {  	_ =	shalt  }
0x40: {  	_ =	shalt  }
0x41: {  	_ =	shalt  }
0x42: {  	_ =	shalt  }
0x43: {  	_ =	shalt  }
0x44: {  	_ =	shalt  }
0x45: {  	_ =	shalt  }
0x46: {  	_ =	shalt  }
0x47: {  	_ =	shalt  }
0x48: {  	_ =	shalt  }
0x49: {  	_ =	shalt  }
0x4a: {  	_ =	shalt  }
0x4b: {  	_ =	shalt  }
0x4c: {  	_ =	shalt  }
0x4d: {  	_ =	shalt  }
0x4e: {  	_ =	shalt  }
0x4f: {  	_ =	shalt  }
0x50: {  	_ =	shalt  }
0x51: {  	_ =	shalt  }
0x52: {  	_ =	shalt  }
0x53: {  	_ =	shalt  }
0x54: {  	_ =	shalt  }
0x55: {  	_ =	shalt  }
0x56: {  	_ =	shalt  }
0x57: {  	_ =	shalt  }
0x58: {  	_ =	shalt  }
0x59: {  	_ =	shalt  }
0x5a: {  	_ =	shalt  }
0x5b: {  	_ =	shalt  }
0x5c: {  	_ =	shalt  }
0x5d: {  	_ =	shalt  }
0x5e: {  	_ =	shalt  }
0x5f: {  	_ =	shalt  }
0x60: {  	_ =	shalt  }
0x61: {  	_ =	shalt  }
0x62: {  	_ =	shalt  }
0x63: {  	_ =	shalt  }
0x64: {  	_ =	shalt  }
0x65: {  	_ =	shalt  }
0x66: {  	_ =	shalt  }
0x67: {  	_ =	shalt  }
0x68: {  	_ =	shalt  }
0x69: {  	_ =	shalt  }
0x6a: {  	_ =	shalt  }
0x6b: {  	_ =	shalt  }
0x6c: {  	_ =	shalt  }
0x6d: {  	_ =	shalt  }
0x6e: {  	_ =	shalt  }
0x6f: {  	_ =	shalt  }
0x70: {  	_ =	shalt  }
0x71: {  	_ =	shalt  }
0x72: {  	_ =	shalt  }
0x73: {  	_ =	shalt  }
0x74: {  	_ =	shalt  }
0x75: {  	_ =	shalt  }
0x76: {  	_ =	shalt  }
0x77: {  	_ =	shalt  }
0x78: {  	_ =	shalt  }
0x79: {  	_ =	shalt  }
0x7a: {  	_ =	shalt  }
0x7b: {  	_ =	shalt  }
0x7c: {  	_ =	shalt  }
0x7d: {  	_ =	shalt  }
0x7e: {  	_ =	shalt  }
0x7f: {  	_ =	shalt  }
0x80: {  	_ =	shalt  }
0x81: {  	_ =	shalt  }
0x82: {  	_ =	shalt  }
0x83: {  	_ =	shalt  }
0x84: {  	_ =	shalt  }
0x85: {  	_ =	shalt  }
0x86: {  	_ =	shalt  }
0x87: {  	_ =	shalt  }
.Lfunc_end0:
.L_simem_size_0:
called_computation_lowered:
.L_overlay_start_0:
0x88: {  	s2 =	sld [smem:$0x3FD9]  }
0x89: {  	s3 =	sld [smem:$0x3FFE];
	_ =	sdelay $0x1  }
0x8a: {  	s1 =	srdreg.scid  }
0x8b: {  	s0 =	sand.u32 $0x1, s1  }
0x8c: {  	s14 =	sshll.u32 s0, $0xA;
	s2 =	sadd.s32 s3, s2  }
0x8d: {  	s2 =	sadd.s32 s2, s14  }
0x8e: {  	[smem:$0x3FC7] =	sst s2  }
0x8f: {  	_ = 	snop  }
0x90: {  	s2 =	sld [smem:$0x3FD0];
	_ =	sdelay $0x2  }
0x91: {  	s15 =	simm.s32 $0xA;
	s4 =	simm.s32 $0x10  }
0x92: {  	[smem:s4], [sflag:s15] =	dma.local [hbm:s2], $0x1  }
0x93: {  	_ =	swait.eq [sflag:s15], $0x1  }
0x94: {  	[sflag:s15] =	ssyncset.done $0x0  }
0x95: {  	s16 =	sld [smem:$0x10];
	[sflag:s15] =	ssyncadd.s32 $0xFFFFFFFF  }
0x96: {  	s17 =	sld [smem:$0x11];
	(tm) =	ssettm $0x1  }
0x97: {  	s18 =	sld [smem:$0x3FFB];
	_ =	sdelay $0x3  }
0x98: {  	_ =	strace s18  }
0x99: {  	s4 =	sld [smem:$0x3FFC];
	_ =	sdelay $0x3  }
0x9a: {  	_ =	strace s4  }
0x9b: {  	s4 =	sld [smem:$0x3FFD];
	_ =	sdelay $0x3  }
0x9c: {  	_ =	strace s4  }
0x9d: {  	_ =	strace $0x8FFFFFFF  }
0x9e: {  	s19 =	sld [smem:$0x3FDB];
	_ =	sdelay $0x1  }
0x9f: {  	s5 =	simm.s32 $_scs_section_size  }
0xa0: {  	s6 =	simm.s32 $_size__tile_overlayer_lowered;
	s7 =	simm.s32 $_tile_overlayer_lowered  }
0xa1: {  	s22 =	simm.s32 $0x1BFF;
	s21 =	sshll.u32 s7, $0x1;
	s4 =	sadd.s32 s5, s19  }
0xa2: {  	s8 =	simm.s32 $0x0;
	s20 =	sshll.u32 s6, $0x1;
	s6 =	sadd.s32 s21, s4  }
0xa3: {  	[timem:s8], [sflag:s22] =	dma.local [hbm:s6], s20  }
0xa4: {  	_ =	swait.ge [sflag:s22], s20  }
0xa5: {  	s5 =	ssub.s32 $0x0, s20;
	[sflag:s22] =	ssyncset.done $0x0  }
0xa6: {  	[sflag:s22] =	ssyncadd.s32 s5;
	_ =	sdelay $0x1  }
0xa7: {  	s23 =	simm.s32 $0x1B8B  }
0xa8: {  	_ =	swait.ge [sflag:s23], $0x1  }
0xa9: {  	[sflag:s23] =	ssyncset.done $0x0  }
0xaa: {  	s25 =	simm.s32 $0x1B8E;
	s24 =	sld [smem:$0x3FFE];
	[sflag:s23] =	ssyncadd.s32 $0xFFFFFFFF  }
0xab: {  	s26 =	simm.s32 $execute0_lowered;
	[smem:$0x3FD2] =	sst s25  }
0xac: {  	s6 =	sshll.u32 s26, $0x1;
	_ =	strace $0x80000046;
	[dreg:$0x1] =	wrdreg $0xFFFFFFFF  }
0xad: {  	s28 =	simm.s32 $_size_execute0_lowered;
	s4 =	sadd.s32 s4, s6;
	[dreg:$0x0] =	wrdreg $0x0  }
0xae: {  	s6 =	sshll.u32 s28, $0x1;
	[dreg:$0x2] =	wrdreg s4  }
0xaf: {  	[dreg:$0x3] =	wrdreg s6  }
0xb0: {  	[dreg:$0x4] =	wrdreg $0xC0  }
0xb1: {  	_ =	task [dreg:s8], $0x5FFFF  }
0xb2: {  	[dreg:$0x1] =	wrdreg $0xFFFFFFFF  }
0xb3: {  	[dreg:$0x0] =	wrdreg $0x60  }
0xb4: {  	[dreg:$0x2] =	wrdreg s17  }
0xb5: {  	[dreg:$0x3] =	wrdreg s16  }
0xb6: {  	[dreg:$0x4] =	wrdreg s24  }
0xb7: {  	[dreg:$0x5] =	wrdreg $0x9  }
0xb8: {  	_ =	task.clear_ibuf [dreg:s8], $0x6FFFF;
	_ =	strace $0x90000046  }
0xb9: {  	s29 =	simm.s32 $0x9;
	_ =	strace $0x80000048  }
0xba: {  	_ =	swait.ge [sflag:s29], $0x1  }
0xbb: {  	[sflag:s29] =	ssyncadd.s32 $0xFFFFFFFF  }
0xbc: {  	_ =	strace $0x90000048  }
0xbd: {  	_ =	sfence  }
0xbe: {  	s30 =	sld [smem:$0x0];
	_ =	sdelay $0x2  }
0xbf: {  	s31 =	sshll.u32 s1, $0xD;
	s1 =	sshrl.u32 s1, $0x2  }
0xc0: {  	s3 =	sand.u32 $0x4000, s31;
	s1 =	sadd.s32 s1, s30  }
0xc1: {  	s0 =	sor.u32 s3, s0;
	s1 =	sshll.u32 s1, $0x11  }
0xc2: {  	s0 =	sor.u32 s1, s0  }
0xc3: {  	s0 =	sadd.s32 $0x8F2B, s0  }
0xc4: {  	[sflag:s0] =	ssyncadd.remote.s32 $0x1  }
0xc5: {  	_ =	sfence.sel $0xFFFF  }
0xc6: {  	[dreg:$0x0] =	wrdreg $0xFFFFFFFF;
	(pc) =	sbr.abs _section_cstart, $3  }
0xc7: {  	[dreg:$0x1] =	wrdreg $0xFFFFFFFF  }
0xc8: {  	_ =	task.clear_ibuf [dreg:s8], $0x2FFFF;
	_ =	strace $0x9FFFFFFF  }
0xc9: {  	(tm) =	ssettm $0x7FFFFFFF  }
tec
execute0_lowered:
.L_overlay_start_1:
0x0: {  	(tag) =	ssettag $0x1  }
0x1: {  	s5 =	rddreg [dreg:$0x0]  }
0x2: {  	s1 =	srdreg.scid;
	s6 =	rddreg [dreg:$0x1]  }
0x3: {  	s0 =	stileid.u32;
	s7 =	rddreg [dreg:$0x2];
	s2 =	simm.s32 $0x0  }
0x4: {  	s13 =	simm.s32 $0x1;
	s3 =	sand.u32 $0x1, s1;
	s26 =	sshll.u32 s0, $0x1  }
0x5: {  	s14 =	simm.s32 $0x1;
	p6 =	por $0x0, $0x0;
	s4 =	sor.u32 s3, s26  }
0x6: {  	s1 =	rddreg [dreg:$0x3];
	s12 =	ssub.s32 $0x2, s3;
	s9 =	smul.u32 $0x3, s4  }
0x7: {  	[smem:$0x7FF] =	sst s2;
	s4 =	smul.u32 $0x180, s4;
	s29 =	sshrl.u32 s12, $0x1  }
0x8: {  	_ =	strace $0x80000047;
	s23 =	ssub.s32 s12, s29;
	s8 =	sshrl.u32 s9, $0x3  }
0x9: {  	s4 =	sand.u32 $0x380, s4;
	s3 =	sand.u32 $0x1F, s9;
	s30 =	sadd.s32 $0x1, s9  }
0xa: {  	s22 =	sadd.s32 $0x2, s9;
	s10 =	smul.u32 $0x62000, s8;
	s8 =	sadd.s32 $0xA00, s7  }
0xb: {  	p0 =	sne.s32 s3, $0x0;
	s15 =	sshrl.u32 s30, $0x3;
	s16 =	sshll.u32 s30, $0x7  }
0xc: {  	s24 =	sshrl.u32 s22, $0x3;
	s26 =	sshll.u32 s22, $0x7;
	s15 =	smul.u32 $0x62000, s15  }
0xd: {  	s7 =	sshrl.u32 s30, $0x5;
	p2 =	sgt.u32 s3, $0x1F;
	s25 =	smul.u32 $0x62000, s24  }
0xe: {  	s31 =	sand.u32 $0x380, s16;
	s16 =	sshrl.u32 s9, $0x5;
	s7 =	smul.u32 $0x62000, s7  }
0xf: {  	s9 =	simm.s32 $0x80;
	s28 =	sor.u32 s4, s10;
	s10 =	simm.s32 $0x1  }
0x10: {  	s4 =	sand.u32 $0x1F, s30;
	s10 =	simm.s32 @!p0 $0x0;
	p0 =	sgt.u32 s3, $0x4  }
0x11: {  	s11 =	sshrl.u32 s28, $0x3;
	p1 =	sgt.u32 s4, $0x1F;
	s13 =	simm.s32 @!p0 $0x0  }
0x12: {  	p0 =	sgt.u32 s3, $0x8;
	s18 =	sadd.s32 s5, s11;
	s11 =	sadd.s32 s8, s11  }
0x13: {  	s10 =	sadd.s32 s13, s10;
	s14 =	simm.s32 @!p0 $0x0;
	[dreg:$0x4] =	wrdreg s18  }
0x14: {  	p0 =	sgt.u32 s3, $0xD;
	s13 =	simm.s32 $0x1;
	[dreg:$0x6] =	wrdreg s11  }
0x15: {  	s11 =	sshrl.u32 s22, $0x5;
	s10 =	sadd.s32 s14, s10;
	s13 =	simm.s32 @!p0 $0x0  }
0x16: {  	p0 =	sgt.u32 s3, $0x11;
	s14 =	simm.s32 $0x1;
	s10 =	sadd.s32 s13, s10  }
0x17: {  	s14 =	simm.s32 @!p0 $0x0;
	p0 =	sgt.u32 s3, $0x16;
	s13 =	simm.s32 $0x1  }
0x18: {  	s11 =	smul.u32 $0x62000, s11;
	s10 =	sadd.s32 s14, s10;
	s13 =	simm.s32 @!p0 $0x0  }
0x19: {  	p0 =	sgt.u32 s3, $0x1A;
	s14 =	simm.s32 $0x1;
	s10 =	sadd.s32 s13, s10  }
0x1a: {  	s14 =	simm.s32 @!p0 $0x0;
	s13 =	sor.u32 s31, s15;
	p0 =	sne.s32 s4, $0x0  }
0x1b: {  	s15 =	simm.s32 $0x1;
	s31 =	smax.u32 s23, $0x1;
	s19 =	sshrl.u32 s13, $0x3  }
0x1c: {  	s10 =	sadd.s32 s14, s10;
	s14 =	smul.u32 $0x62000, s16;
	s21 =	sadd.s32 s5, s19  }
0x1d: {  	s17 =	sshll.u32 s10, $0x7;
	s10 =	sadd.s32 s8, s19;
	[dreg:$0x5] =	wrdreg s21  }
0x1e: {  	s16 =	simm.s32 $0x1;
	s20 =	sand.u32 $0x380, s17;
	[dreg:$0x9] =	wrdreg s10  }
0x1f: {  	s10 =	simm.s32 $0x400;
	s13 =	sor.u32 s20, s14;
	s14 =	simm.s32 $0x1  }
0x20: {  	s13 =	sshrl.u32 s13, $0x3;
	s14 =	simm.s32 @!p0 $0x0;
	p0 =	sgt.u32 s4, $0x4  }
0x21: {  	s13 =	sadd.s32 s6, s13;
	s15 =	simm.s32 @!p0 $0x0;
	p0 =	sgt.u32 s4, $0x8  }
0x22: {  	[dreg:$0x7] =	wrdreg s13;
	s13 =	sand.u32 $0x380, s26;
	s28 =	sadd.s32 s15, s14  }
0x23: {  	s16 =	simm.s32 @!p0 $0x0;
	p0 =	sgt.u32 s4, $0xD;
	s14 =	simm.s32 $0x1  }
0x24: {  	s15 =	simm.s32 $0x1;
	s12 =	sor.u32 s13, s25;
	s13 =	sadd.s32 s16, s28  }
0x25: {  	s14 =	simm.s32 @!p0 $0x0;
	p0 =	sgt.u32 s4, $0x11;
	s16 =	simm.s32 $0x1  }
0x26: {  	s12 =	sshrl.u32 s12, $0x3;
	s13 =	sadd.s32 s14, s13;
	s15 =	simm.s32 @!p0 $0x0  }
0x27: {  	p0 =	sgt.u32 s4, $0x16;
	s14 =	simm.s32 $0x1;
	s13 =	sadd.s32 s15, s13  }
0x28: {  	s14 =	simm.s32 @!p0 $0x0;
	p0 =	sgt.u32 s4, $0x1A;
	s15 =	simm.s32 $0x1  }
0x29: {  	s5 =	sadd.s32 s5, s12;
	s8 =	sadd.s32 s8, s12;
	s13 =	sadd.s32 s14, s13  }
0x2a: {  	s15 =	simm.s32 @!p0 $0x0;
	[dreg:$0x8] =	wrdreg s5;
	s5 =	sand.u32 $0x1F, s22  }
0x2b: {  	s14 =	simm.s32 $0x1;
	s13 =	sadd.s32 s15, s13;
	p0 =	sne.s32 s5, $0x0  }
0x2c: {  	s15 =	simm.s32 $0x1;
	s14 =	simm.s32 @!p0 $0x0;
	p0 =	sgt.u32 s5, $0x4  }
0x2d: {  	s12 =	simm.s32 $0xC400;
	s15 =	simm.s32 @!p0 $0x0;
	p0 =	sgt.u32 s5, $0x8  }
0x2e: {  	[dreg:$0xb] =	wrdreg s8;
	s14 =	sadd.s32 s15, s14;
	s16 =	simm.s32 @!p0 $0x0  }
0x2f: {  	p0 =	sgt.u32 s5, $0xD;
	s15 =	simm.s32 $0x1;
	s14 =	sadd.s32 s16, s14  }
0x30: {  	s15 =	simm.s32 @!p0 $0x0;
	p0 =	sgt.u32 s5, $0x11;
	s16 =	simm.s32 $0x1  }
0x31: {  	s22 =	sadd.s32 $0xFFFFFFFF, s31;
	s14 =	sadd.s32 s15, s14;
	s16 =	simm.s32 @!p0 $0x0  }
0x32: {  	p0 =	sgt.u32 s5, $0x16;
	s15 =	simm.s32 $0x1;
	s14 =	sadd.s32 s16, s14  }
0x33: {  	s15 =	simm.s32 @!p0 $0x0;
	p0 =	sgt.u32 s5, $0x1A;
	s16 =	simm.s32 $0x1  }
0x34: {  	s8 =	simm.s32 $0x3;
	s14 =	sadd.s32 s15, s14;
	s16 =	simm.s32 @!p0 $0x0  }
0x35: {  	s13 =	sshll.u32 s13, $0x7;
	p0 =	sne.s32 s22, $0x0;
	s14 =	sadd.s32 s16, s14  }
.Ltmp0:
0x36: {  	s13 =	sand.u32 $0x380, s13;
	s14 =	sshll.u32 s14, $0x7;
	(pc) =	sbr.rel @!p0 .LBB2_5-.Ltmp0, $4  }
0x37: {  	p3 =	sgt.u32 s5, $0x1F;
	s13 =	sor.u32 s13, s7;
	s14 =	sand.u32 $0x380, s14  }
0x38: {  	s7 =	simm.s32 $0x1;
	s13 =	sshrl.u32 s13, $0x3;
	s11 =	sor.u32 s14, s11  }
0x39: {  	s29 =	sadd.s32 s6, s13;
	s13 =	simm.s32 $0x2;
	s30 =	sshrl.u32 s11, $0x3  }
0x3a: {  	[dreg:$0xa] =	wrdreg s29;
	s11 =	simm.s32 $0x4;
	s6 =	sadd.s32 s6, s30  }
0x3b: {  	s14 =	rddreg [dreg:$0x4]  }
0x3c: {  	[tilespmem:s2], [sflag:$0x1] =	stream.strided.gather [hbm4b:s14+s9], $0xC400, s10, s9, $0x38;
	[tilespmem:$0x18800] =	vst v63  }
0x3d: {  	s14 =	simm.s32 @!p2 $0x1  }
0x3e: {  	s15 =	rddreg [dreg:$0x5];
	s14 =	sshll.u32 @!p2 s14, s3  }
0x3f: {  	[tilespmem:s12], [sflag:$0x2] =	stream.strided.gather [hbm4b:s15+s9], $0xC400, s10, s9, $0x38;
	[tilespmem:$0x18800] =	vst v63  }
0x40: {  	p5 =	por p3, p3;
	s14 =	sand.u32 @!p2 $0x84422111, s14;
	_ =	swait.ge [sflag:s7], $0xC400  }
0x41: {  	p0 =	sne.s32 @!p2 s14, $0x0;
	s30 =	rddreg [dreg:$0x6];
	[sflag:s7] =	ssyncset.done $0x0  }
0x42: {  	p3 =	por !p0, p2;
	s17 =	rddreg [dreg:$0x7];
	[sflag:s7] =	ssyncadd.s32 $0xFFFF3C00  }
0x43: {  	[hbm4b:s30+s9] =	stream.strided.scatter [tilespmem:s2], [sflag:$0x3], $0xC400, s10, s9, $0x38;
	[tilespmem:$0x18800] =	vst v63  }
0x44: {  	s14 =	simm.s32 @!p3 $0x80;
	s15 =	simm.s32 @!p3 $0x400;
	s16 =	simm.s32 @!p3 $0x0  }
0x45: {  	[hbm4b:s17+s14] =	stream.strided.scatter @!p3 [tilespmem:s16], [sflag:$0x5], $0xC400, s15, s14, $0x38;
	[tilespmem:$0x18800] =	vst v63  }
0x46: {  	_ =	swait.ge [sflag:s13], $0xC400  }
0x47: {  	[sflag:s13] =	ssyncset.done $0x0  }
0x48: {  	[sflag:s13] =	ssyncadd.s32 $0xFFFF3C00  }
0x49: {  	_ =	swait.ge [sflag:s8], $0xC400  }
0x4a: {  	s18 =	simm.s32 @!p1 $0x1;
	[sflag:s8] =	ssyncset.done $0x0  }
0x4b: {  	s18 =	sshll.u32 @!p1 s18, s4;
	s17 =	simm.s32 @!p3 $0x5;
	[sflag:s8] =	ssyncadd.s32 $0xFFFF3C00  }
0x4c: {  	s18 =	sand.u32 @!p1 $0x84422111, s18;
	_ =	swait.ge @!p3 [sflag:s17], $0xC400  }
0x4d: {  	p0 =	sne.s32 @!p1 s18, $0x0;
	[sflag:s17] =	ssyncset.done @!p3 $0x0  }
0x4e: {  	p4 =	por !p0, p1;
	s19 =	rddreg [dreg:$0x8];
	[sflag:s17] =	ssyncadd.s32 @!p3 $0xFFFF3C00  }
0x4f: {  	[tilespmem:s2], [sflag:$0x1] =	stream.strided.gather [hbm4b:s19+s9], $0xC400, s10, s9, $0x38;
	[tilespmem:$0x18800] =	vst v63  }
0x50: {  	s18 =	simm.s32 @!p4 $0x80;
	s31 =	rddreg [dreg:$0x9]  }
0x51: {  	[hbm4b:s31+s9] =	stream.strided.scatter [tilespmem:s12], [sflag:$0x4], $0xC400, s10, s9, $0x38;
	[tilespmem:$0x18800] =	vst v63  }
0x52: {  	s20 =	simm.s32 @!p4 $0xC400;
	s21 =	rddreg [dreg:$0xa];
	s19 =	simm.s32 @!p4 $0x400  }
0x53: {  	[hbm4b:s21+s18] =	stream.strided.scatter @!p4 [tilespmem:s20], [sflag:$0x5], $0xC400, s19, s18, $0x38;
	[tilespmem:$0x18800] =	vst v63  }
0x54: {  	_ =	swait.ge [sflag:s7], $0xC400  }
0x55: {  	s23 =	simm.s32 @!p5 $0x1;
	[sflag:s7] =	ssyncset.done $0x0  }
0x56: {  	s23 =	sshll.u32 @!p5 s23, s5;
	[sflag:s7] =	ssyncadd.s32 $0xFFFF3C00  }
0x57: {  	s22 =	sadd.s32 $0xFFFFFFFF, s22;
	s23 =	sand.u32 @!p5 $0x84422111, s23;
	_ =	swait.ge [sflag:s11], $0xC400  }
0x58: {  	p0 =	sne.s32 @!p5 s23, $0x0;
	s23 =	simm.s32 @!p5 $0x0;
	[sflag:s11] =	ssyncset.done $0x0  }
0x59: {  	s23 =	simm.s32 @p5 $0x1;
	s21 =	simm.s32 @!p4 $0x5;
	[sflag:s11] =	ssyncadd.s32 $0xFFFF3C00  }
0x5a: {  	p5 =	por !p0, p5;
	p0 =	sne.s32 s22, $0x0;
	_ =	swait.ge @!p4 [sflag:s21], $0xC400  }
.Ltmp1:
0x5b: {  	p6 =	por $0x1, $0x1;
	[sflag:s21] =	ssyncset.done @!p4 $0x0;
	(pc) =	sbr.rel @!p0 .LBB2_2-.Ltmp1, $4  }
0x5c: {  	s25 =	simm.s32 @!p5 $0x0;
	s24 =	rddreg [dreg:$0xb];
	[sflag:s21] =	ssyncadd.s32 @!p4 $0xFFFF3C00  }
0x5d: {  	[hbm4b:s24+s9] =	stream.strided.scatter [tilespmem:s2], [sflag:$0x3], $0xC400, s10, s9, $0x38;
	[tilespmem:$0x18800] =	vst v63  }
0x5e: {  	[smem:$0x7FD] =	sst s23;
	s23 =	simm.s32 @!p5 $0x80;
	s24 =	simm.s32 @!p5 $0x400  }
0x5f: {  	[hbm4b:s6+s23] =	stream.strided.scatter @!p5 [tilespmem:s25], [sflag:$0x5], $0xC400, s24, s23, $0x38;
	[tilespmem:$0x18800] =	vst v63  }
.LBB2_3:
0x60: {  	_ =	swait.ge [sflag:s8], $0xC400  }
0x61: {  	[sflag:s8] =	ssyncset.done $0x0  }
0x62: {  	s26 =	simm.s32 @!p5 $0x5;
	[sflag:s8] =	ssyncadd.s32 $0xFFFF3C00  }
0x63: {  	_ =	swait.ge @!p5 [sflag:s26], $0xC400  }
0x64: {  	[sflag:s26] =	ssyncset.done @!p5 $0x0  }
0x65: {  	s29 =	rddreg [dreg:$0x4];
	[sflag:s26] =	ssyncadd.s32 @!p5 $0xFFFF3C00  }
0x66: {  	[tilespmem:s2], [sflag:$0x1] =	stream.strided.gather [hbm4b:s29+s9], $0xC400, s10, s9, $0x38;
	[tilespmem:$0x18800] =	vst v63  }
0x67: {  	s28 =	rddreg [dreg:$0x5]  }
0x68: {  	[tilespmem:s12], [sflag:$0x2] =	stream.strided.gather [hbm4b:s28+s9], $0xC400, s10, s9, $0x38;
	[tilespmem:$0x18800] =	vst v63  }
0x69: {  	_ =	swait.ge [sflag:s7], $0xC400  }
0x6a: {  	[sflag:s7] =	ssyncset.done $0x0  }
0x6b: {  	s31 =	rddreg [dreg:$0x6];
	[sflag:s7] =	ssyncadd.s32 $0xFFFF3C00  }
0x6c: {  	[hbm4b:s31+s9] =	stream.strided.scatter [tilespmem:s2], [sflag:$0x3], $0xC400, s10, s9, $0x38;
	[tilespmem:$0x18800] =	vst v63  }
0x6d: {  	s28 =	rddreg [dreg:$0x7]  }
0x6e: {  	[hbm4b:s28+s14] =	stream.strided.scatter @!p3 [tilespmem:s16], [sflag:$0x5], $0xC400, s15, s14, $0x38;
	[tilespmem:$0x18800] =	vst v63  }
0x6f: {  	_ =	swait.ge [sflag:s13], $0xC400  }
0x70: {  	[sflag:s13] =	ssyncset.done $0x0  }
0x71: {  	[sflag:s13] =	ssyncadd.s32 $0xFFFF3C00  }
0x72: {  	_ =	swait.ge [sflag:s8], $0xC400  }
0x73: {  	[sflag:s8] =	ssyncset.done $0x0  }
0x74: {  	[sflag:s8] =	ssyncadd.s32 $0xFFFF3C00  }
0x75: {  	_ =	swait.ge @!p3 [sflag:s17], $0xC400  }
0x76: {  	[sflag:s17] =	ssyncset.done @!p3 $0x0  }
0x77: {  	s29 =	rddreg [dreg:$0x8];
	[sflag:s17] =	ssyncadd.s32 @!p3 $0xFFFF3C00  }
0x78: {  	[tilespmem:s2], [sflag:$0x1] =	stream.strided.gather [hbm4b:s29+s9], $0xC400, s10, s9, $0x38;
	[tilespmem:$0x18800] =	vst v63  }
0x79: {  	s30 =	rddreg [dreg:$0x9]  }
0x7a: {  	[hbm4b:s30+s9] =	stream.strided.scatter [tilespmem:s12], [sflag:$0x4], $0xC400, s10, s9, $0x38;
	[tilespmem:$0x18800] =	vst v63  }
0x7b: {  	s26 =	rddreg [dreg:$0xa]  }
0x7c: {  	[hbm4b:s26+s18] =	stream.strided.scatter @!p4 [tilespmem:s20], [sflag:$0x5], $0xC400, s19, s18, $0x38;
	[tilespmem:$0x18800] =	vst v63  }
0x7d: {  	_ =	swait.ge [sflag:s7], $0xC400  }
0x7e: {  	[sflag:s7] =	ssyncset.done $0x0  }
0x7f: {  	[sflag:s7] =	ssyncadd.s32 $0xFFFF3C00  }
0x80: {  	_ =	swait.ge [sflag:s11], $0xC400  }
0x81: {  	[sflag:s11] =	ssyncset.done $0x0  }
0x82: {  	s22 =	sadd.s32 $0xFFFFFFFF, s22;
	[sflag:s11] =	ssyncadd.s32 $0xFFFF3C00  }
0x83: {  	p0 =	sne.s32 s22, $0x0;
	_ =	swait.ge @!p4 [sflag:s21], $0xC400  }
.Ltmp2:
0x84: {  	[sflag:s21] =	ssyncset.done @!p4 $0x0;
	(pc) =	sbr.rel @p0 .LBB2_3-.Ltmp2, $4  }
0x85: {  	s31 =	rddreg [dreg:$0xb];
	[sflag:s21] =	ssyncadd.s32 @!p4 $0xFFFF3C00  }
0x86: {  	[hbm4b:s31+s9] =	stream.strided.scatter [tilespmem:s2], [sflag:$0x3], $0xC400, s10, s9, $0x38;
	[tilespmem:$0x18800] =	vst v63  }
0x87: {  	_ = 	snop  }
0x88: {  	[hbm4b:s6+s23] =	stream.strided.scatter @!p5 [tilespmem:s25], [sflag:$0x5], $0xC400, s24, s23, $0x38;
	[tilespmem:$0x18800] =	vst v63  }
0x89: {  	s14 =	sld [smem:$0x7FD];
	_ =	sdelay $0x2  }
0x8a: {  	p3 =	seq.s32 s14, $0x1  }
.LBB2_5:
0x8b: {  	_ =	swait.ge @p6 [sflag:s8], $0xC400  }
0x8c: {  	p0 =	por p5, !p6;
	[sflag:s8] =	ssyncset.done @p6 $0x0  }
0x8d: {  	s14 =	simm.s32 @!p0 $0x5;
	[sflag:s8] =	ssyncadd.s32 @p6 $0xFFFF3C00  }
0x8e: {  	_ =	swait.ge @!p0 [sflag:s14], $0xC400  }
0x8f: {  	[sflag:s14] =	ssyncset.done @!p0 $0x0  }
0x90: {  	s15 =	rddreg [dreg:$0x4];
	[sflag:s14] =	ssyncadd.s32 @!p0 $0xFFFF3C00;
	s14 =	simm.s32 @!p2 $0x1  }
0x91: {  	[tilespmem:s2], [sflag:$0x1] =	stream.strided.gather [hbm4b:s15+s9], $0xC400, s10, s9, $0x38;
	[tilespmem:$0x18800] =	vst v63  }
0x92: {  	s16 =	rddreg [dreg:$0x5];
	s3 =	sshll.u32 @!p2 s14, s3  }
0x93: {  	[tilespmem:s12], [sflag:$0x2] =	stream.strided.gather [hbm4b:s16+s9], $0xC400, s10, s9, $0x38;
	[tilespmem:$0x18800] =	vst v63  }
0x94: {  	s3 =	sand.u32 @!p2 $0x84422111, s3;
	_ =	swait.ge [sflag:s7], $0xC400  }
0x95: {  	p0 =	sne.s32 @!p2 s3, $0x0;
	s28 =	rddreg [dreg:$0x6];
	[sflag:s7] =	ssyncset.done $0x0  }
0x96: {  	p0 =	por !p0, p2;
	s3 =	rddreg [dreg:$0x7];
	[sflag:s7] =	ssyncadd.s32 $0xFFFF3C00  }
0x97: {  	[hbm4b:s28+s9] =	stream.strided.scatter [tilespmem:s2], [sflag:$0x3], $0xC400, s10, s9, $0x38;
	[tilespmem:$0x18800] =	vst v63  }
0x98: {  	s14 =	simm.s32 @!p0 $0x80;
	s15 =	simm.s32 @!p0 $0x400;
	s16 =	simm.s32 @!p0 $0x0  }
0x99: {  	[hbm4b:s3+s14] =	stream.strided.scatter @!p0 [tilespmem:s16], [sflag:$0x5], $0xC400, s15, s14, $0x38;
	[tilespmem:$0x18800] =	vst v63  }
0x9a: {  	_ =	swait.ge [sflag:s13], $0xC400  }
0x9b: {  	[sflag:s13] =	ssyncset.done $0x0  }
0x9c: {  	[sflag:s13] =	ssyncadd.s32 $0xFFFF3C00  }
0x9d: {  	_ =	swait.ge [sflag:s8], $0xC400  }
0x9e: {  	[sflag:s8] =	ssyncset.done $0x0  }
0x9f: {  	s3 =	simm.s32 @!p0 $0x5;
	s13 =	simm.s32 @!p1 $0x1;
	[sflag:s8] =	ssyncadd.s32 $0xFFFF3C00  }
0xa0: {  	s4 =	sshll.u32 @!p1 s13, s4;
	_ =	swait.ge @!p0 [sflag:s3], $0xC400  }
0xa1: {  	s4 =	sand.u32 @!p1 $0x84422111, s4;
	s29 =	rddreg [dreg:$0x8];
	[sflag:s3] =	ssyncset.done @!p0 $0x0  }
0xa2: {  	p2 =	sne.s32 @!p1 s4, $0x0;
	s30 =	rddreg [dreg:$0x9];
	[sflag:s3] =	ssyncadd.s32 @!p0 $0xFFFF3C00  }
0xa3: {  	[tilespmem:s2], [sflag:$0x1] =	stream.strided.gather [hbm4b:s29+s9], $0xC400, s10, s9, $0x38;
	[tilespmem:$0x18800] =	vst v63  }
0xa4: {  	s4 =	rddreg [dreg:$0xa];
	p0 =	por !p2, p1  }
0xa5: {  	[hbm4b:s30+s9] =	stream.strided.scatter [tilespmem:s12], [sflag:$0x4], $0xC400, s10, s9, $0x38;
	[tilespmem:$0x18800] =	vst v63  }
0xa6: {  	s3 =	simm.s32 @!p0 $0x80;
	s13 =	simm.s32 @!p0 $0xC400;
	s12 =	simm.s32 @!p0 $0x400  }
0xa7: {  	[hbm4b:s4+s3] =	stream.strided.scatter @!p0 [tilespmem:s13], [sflag:$0x5], $0xC400, s12, s3, $0x38;
	[tilespmem:$0x18800] =	vst v63  }
0xa8: {  	_ =	swait.ge [sflag:s7], $0xC400  }
0xa9: {  	[sflag:s7] =	ssyncset.done $0x0  }
0xaa: {  	[sflag:s7] =	ssyncadd.s32 $0xFFFF3C00  }
0xab: {  	_ =	swait.ge [sflag:s11], $0xC400  }
0xac: {  	s4 =	simm.s32 @!p3 $0x1;
	[sflag:s11] =	ssyncset.done $0x0  }
0xad: {  	s3 =	simm.s32 @!p0 $0x5;
	s4 =	sshll.u32 @!p3 s4, s5;
	[sflag:s11] =	ssyncadd.s32 $0xFFFF3C00  }
0xae: {  	s4 =	sand.u32 @!p3 $0x84422111, s4;
	_ =	swait.ge @!p0 [sflag:s3], $0xC400  }
0xaf: {  	p1 =	sne.s32 @!p3 s4, $0x0;
	[sflag:s3] =	ssyncset.done @!p0 $0x0  }
0xb0: {  	p1 =	por !p1, p3;
	s31 =	rddreg [dreg:$0xb];
	[sflag:s3] =	ssyncadd.s32 @!p0 $0xFFFF3C00  }
0xb1: {  	[hbm4b:s31+s9] =	stream.strided.scatter [tilespmem:s2], [sflag:$0x3], $0xC400, s10, s9, $0x38;
	[tilespmem:$0x18800] =	vst v63  }
0xb2: {  	s4 =	simm.s32 @!p1 $0x0;
	s3 =	simm.s32 @!p1 $0x400;
	s2 =	simm.s32 @!p1 $0x80  }
0xb3: {  	[hbm4b:s6+s2] =	stream.strided.scatter @!p1 [tilespmem:s4], [sflag:$0x5], $0xC400, s3, s2, $0x38;
	[tilespmem:$0x18800] =	vst v63  }
0xb4: {  	_ =	swait.ge [sflag:s8], $0xC400  }
0xb5: {  	[sflag:s8] =	ssyncset.done $0x0  }
0xb6: {  	s2 =	simm.s32 @!p1 $0x5;
	[sflag:s8] =	ssyncadd.s32 $0xFFFF3C00  }
0xb7: {  	_ =	swait.ge @!p1 [sflag:s2], $0xC400  }
0xb8: {  	[sflag:s2] =	ssyncset.done @!p1 $0x0  }
0xb9: {  	[sflag:s2] =	ssyncadd.s32 @!p1 $0xFFFF3C00  }
0xba: {  	_ =	sfence.sel $0x180000  }
0xbb: {  	[bflag:$0x0] =	sbarrier.arrive $0xFFFF  }
0xbc: {  	p0 =	sne.s32 s0, $0x0;
	_ =	strace $0x90000047  }
0xbd: {  	s0 =	sadd.s32 @!p0 $0x100000, s1;
	[bflag:$0x2] =	sbarrier.arrive $0xFFFF  }
0xbe: {  	[sflag:s0] =	ssyncadd.tile.s32 @!p0 $0x1;
	_ =	shalt  }
.LBB2_2:
.Ltmp3:
0xbf: {  	(pc) =	sbr.rel .LBB2_5-.Ltmp3, $2  }
0xc0: {  	s14 =	sld [smem:$0x7FD];
	_ =	sdelay $0x2  }
0xc1: {  	p3 =	seq.s32 s14, $0x1  }
.Lfunc_end2:
_tile_overlayer_lowered:
.L_overlay_start_2:
0xc2: {  	(tag) =	ssettag $0x2  }
0xc3: {  	s0 =	rddreg [dreg:$0x0];
	s2 =	stileid.u32  }
0xc4: {  	s1 =	rddreg [dreg:$0x1];
	p0 =	sne.s32 s2, $0x0  }
0xc5: {  	s3 =	rddreg [dreg:$0x2];
	[bflag:$0x3] =	sbarrier.arrive $0xFFFF;
	s2 =	simm.s32 @!p0 $0x1C06  }
0xc6: {  	[timem:s3], [sflag:s2] =	dma.local @!p0 [hbm:s0], s1  }
0xc7: {  	s0 =	simm.s32 @!p0 $0x6  }
0xc8: {  	_ =	swait.ge @!p0 [sflag:s0], s1  }
0xc9: {  	s1 =	ssub.s32 @!p0 $0x0, s1;
	[sflag:s0] =	ssyncset.done @!p0 $0x0  }
0xca: {  	[sflag:s0] =	ssyncadd.s32 @!p0 s1  }
0xcb: {  	[bflag:$0x3] =	sbarrier.arrive $0xFFFF  }
0xcc: {  	_ =	shalt  }

</sc_bundles>
